<compile_context>
chip_gen: v7x
topology: tpu7x:2x2x1
jax: 0.10.2.dev20260603
libtpu: 0.0.44.dev20260713+nightly
codegen_flags: <defaults>
</compile_context>

<pallas_src>
import functools

import jax
import jax.numpy as jnp
from jax import lax
from jax.experimental import pallas as pl
from jax.experimental.pallas import tpu as pltpu
from jax.experimental.pallas import tpu_sc as plsc

V = 1000
VM = 896
VT = V - VM
VP = 1024
T = 50
TM = 48
BB = 8
NC = 2
NS = 16
NW = NC * NS


def _table_body(e_ref, wt_ref, b_ref, main_ref, tail_ref):
    res = (
        jnp.dot(e_ref[...], wt_ref[...],
                preferred_element_type=jnp.float32,
                precision=lax.Precision.HIGHEST)
        + b_ref[...]
    )
    main_ref[...] = res[:, :VM]
    tail_ref[...] = res[:, VM:V]


def _make_tables(embed_weight, wt, bias2d):
    return pl.pallas_call(
        _table_body,
        out_shape=(
            jax.ShapeDtypeStruct((V, VM), jnp.float32),
            jax.ShapeDtypeStruct((V, VT), jnp.float32),
        ),
    )(embed_weight, wt, bias2d)


def _edge_body(tok_ref, tab_ref, out_ref):
    n = tok_ref.shape[0]
    onehot = (tok_ref[...] == lax.broadcasted_iota(jnp.int32, (n, V), 1)
              ).astype(jnp.bfloat16)
    out_ref[...] = jnp.dot(onehot, tab_ref[...].astype(jnp.bfloat16),
                           preferred_element_type=jnp.float32)


def _make_edge(tok2d, table, rows_per_block):
    n, _ = tok2d.shape
    w = table.shape[1]
    return pl.pallas_call(
        _edge_body,
        grid=(n // rows_per_block,),
        in_specs=[
            pl.BlockSpec((rows_per_block, 1), lambda i: (i, 0)),
            pl.BlockSpec((V, w), lambda i: (0, 0)),
        ],
        out_specs=pl.BlockSpec((rows_per_block, w), lambda i: (i, 0)),
        out_shape=jax.ShapeDtypeStruct((n, w), jnp.float32),
    )(tok2d, table)


def _gather_body(nchunk, tmain_hbm, idx_hbm, out_hbm,
                 idx_v, rm0, rm1, semm0, semm1):
    wid = lax.axis_index("s") * NC + lax.axis_index("c")

    pltpu.sync_copy(idx_hbm.at[pl.ds(wid * nchunk * TM, nchunk * TM)],
                    idx_v)

    def fire(j, rm, semm):
        ids = idx_v.at[pl.ds(j * TM, TM)]
        pltpu.async_copy(tmain_hbm.at[ids], rm, semm)

    def drain_write(j, rm, semm):
        ids = idx_v.at[pl.ds(0, TM)]
        b = wid * nchunk + j
        pltpu.make_async_copy(tmain_hbm.at[ids], rm, semm).wait()
        pltpu.sync_copy(rm, out_hbm.at[b, pl.ds(0, TM), pl.ds(0, VM)])

    fire(0, rm0, semm0)
    fire(1, rm1, semm1)

    def pair_step(p, carry):
        j = 2 * p
        drain_write(j, rm0, semm0)
        fire(j + 2, rm0, semm0)
        drain_write(j + 1, rm1, semm1)
        fire(j + 3, rm1, semm1)
        return carry

    lax.fori_loop(0, nchunk // 2 - 1, pair_step, 0)
    drain_write(nchunk - 2, rm0, semm0)
    drain_write(nchunk - 1, rm1, semm1)


def _gather_rows(tmain, idx, B, nchunk):
    mesh = plsc.VectorSubcoreMesh(
        core_axis_name="c", subcore_axis_name="s",
        num_cores=NC, num_subcores=NS)
    run = pl.kernel(
        functools.partial(_gather_body, nchunk),
        out_type=jax.ShapeDtypeStruct((B, T, V), jnp.float32),
        mesh=mesh,
        scratch_types=[
            pltpu.VMEM((nchunk * TM,), jnp.int32),
            pltpu.VMEM((TM, VM), jnp.float32),
            pltpu.VMEM((TM, VM), jnp.float32),
            pltpu.SemaphoreType.DMA,
            pltpu.SemaphoreType.DMA,
        ],
    )
    return run(tmain, idx)


def kernel(token_ids, embed_weight, proj_weight, proj_bias):
    B, T_in = token_ids.shape
    assert T_in == T and B % NW == 0 and B % BB == 0
    nchunk = B // NW

    wt = jnp.pad(proj_weight.T, ((0, 0), (0, VP - V)))
    bias2d = jnp.pad(proj_bias.reshape(1, V), ((0, 0), (0, VP - V)))
    tmain, ttail = _make_tables(embed_weight, wt, bias2d)

    tok_i32 = token_ids.astype(jnp.int32)
    tail = _make_edge(tok_i32.reshape(B * T, 1), ttail,
                      rows_per_block=1600).reshape(B, T, VT)
    rowtail = _make_edge(tok_i32[:, TM:].reshape(B * (T - TM), 1), tmain,
                         rows_per_block=512).reshape(B, T - TM, VM)

    idx = tok_i32[:, :TM].reshape(B * TM)
    out = _gather_rows(tmain, idx, B, nchunk)
    out = lax.dynamic_update_slice(out, tail, (0, 0, VM))
    out = lax.dynamic_update_slice(out, rowtail, (0, TM, 0))
    return out

# --- scband reference (transcript-rebuilt; emitter-appended) ---
"""Pipeline reference for scband-tiny-lm-65687229825720 (READ-ONLY COPY).

The authoritative reference and input builder live on the scoring server;
editing this copy changes nothing except your own understanding.
"""

import jax, jax.numpy as jnp
import numpy as np

VOCAB = 1000
D = 64
B = 1024
T = 50

def setup_inputs(seed: int = 0) -> dict:
    key = jax.random.key(seed)
    k1, k2, k3, k4 = jax.random.split(key, 4)
    token_ids = jax.random.randint(k1, (B, T), 0, VOCAB, dtype=jnp.int64)
    embed_weight = jax.random.normal(k2, (VOCAB, D), dtype=jnp.float32)
    # nn.Linear(d, vocab): weight shape (vocab, d), bias shape (vocab,)
    bound = 1.0 / np.sqrt(D)
    proj_weight = jax.random.uniform(k3, (VOCAB, D), dtype=jnp.float32, minval=-bound, maxval=bound)
    proj_bias = jax.random.uniform(k4, (VOCAB,), dtype=jnp.float32, minval=-bound, maxval=bound)
    return {"token_ids": token_ids, "embed_weight": embed_weight, "proj_weight": proj_weight, "proj_bias": proj_bias}

def reference(token_ids, embed_weight, proj_weight, proj_bias):
    # Embedding lookup: (B, T) -> (B, T, D)
    x = jnp.take(embed_weight, token_ids, axis=0)
    # Linear: (B, T, D) @ (D, V) + (V,) -> (B, T, V)
    logits = jnp.einsum('btd,vd->btv', x, proj_weight) + proj_bias
    return logits

if __name__ == "__main__":
    import jax
    _d = setup_inputs()
    print(jax.jit(kernel)(*tuple(_d.values())))

</pallas_src>

<mosaic_0001>
#map = affine_map<(d0, d1) -> (0, 0)>
#map1 = affine_map<(d0, d1) -> (0)>
#map2 = affine_map<(d0, d1) -> (0, 0, 0)>
module attributes {stable_mosaic.version = 14 : i64} {
  func.func @_gather_body(%arg0: i32, %arg1: i32, %arg2: memref<1000x896xf32, #tpu.memory_space<hbm>>, %arg3: memref<49152xi32, #tpu.memory_space<hbm>>, %arg4: memref<1024x50x1000xf32, #tpu.memory_space<hbm>>, %arg5: memref<1536xi32, #tpu.memory_space<vmem>>, %arg6: memref<48x896xf32, #tpu.memory_space<vmem>>, %arg7: memref<48x896xf32, #tpu.memory_space<vmem>>, %arg8: memref<!tpu.dma_semaphore, #tpu.memory_space<semaphore_mem>>, %arg9: memref<!tpu.dma_semaphore, #tpu.memory_space<semaphore_mem>>) attributes {dimension_semantics = [#tpu.dimension_semantics<core_parallel>, #tpu.dimension_semantics<subcore_parallel>], iteration_bounds = array<i64: 2, 16>, scalar_prefetch = 0 : i64, scratch_operands = 5 : i64, tpu.core_type = #tpu.core_type<sc_vector_subcore>, window_params = [{transform_indices = #map}, {transform_indices = #map1}, {transform_indices = #map2}]} {
    %mul3A = arith.constant 2 : i32
    %mul3A_0 = arith.muli %arg1, %mul3A : i32
    %add3A = arith.addi %mul3A_0, %arg0 : i32
    %mul3A_1 = arith.constant 32 : i32
    %mul3A_2 = arith.muli %add3A, %mul3A_1 : i32
    %mul3A_3 = arith.constant 48 : i32
    %mul3A_4 = arith.muli %mul3A_2, %mul3A_3 : i32
    "tpu.region"() ({
      %run_scoped3A = tpu.sem_alloc : memref<!tpu.dma_semaphore, #tpu.memory_space<semaphore_mem>>
      %dma_start3A_36 = tpu.memref_slice %arg3[%mul3A_4] : memref<49152xi32, #tpu.memory_space<hbm>> -> memref<1536xi32, #tpu.memory_space<hbm>>
      %dma_start3A_37 = tpu.memref_slice %arg3[%mul3A_4] : memref<49152xi32, #tpu.memory_space<hbm>> -> memref<1536xi32, #tpu.memory_space<hbm>>
      tpu.enqueue_dma source(%dma_start3A_37 : memref<1536xi32, #tpu.memory_space<hbm>>) target(%arg5 : memref<1536xi32, #tpu.memory_space<vmem>>) target_semaphore(%run_scoped3A : memref<!tpu.dma_semaphore, #tpu.memory_space<semaphore_mem>>)
      %dma_wait3A_38 = tpu.memref_slice %arg3[%mul3A_4] : memref<49152xi32, #tpu.memory_space<hbm>> -> memref<1536xi32, #tpu.memory_space<hbm>>
      %dma_wait3A_39 = tpu.memref_slice %arg3[%mul3A_4] : memref<49152xi32, #tpu.memory_space<hbm>> -> memref<1536xi32, #tpu.memory_space<hbm>>
      tpu.wait_dma2 semaphore(%run_scoped3A : memref<!tpu.dma_semaphore, #tpu.memory_space<semaphore_mem>>) src(%dma_wait3A_39 : memref<1536xi32, #tpu.memory_space<hbm>>) dst(%arg5 : memref<1536xi32, #tpu.memory_space<vmem>>)
      tpu.yield
    }) : () -> ()
    %dma_start3A = arith.constant 0 : i32
    %dma_start3A_5 = tpu.memref_slice %arg5[%dma_start3A] : memref<1536xi32, #tpu.memory_space<vmem>> -> memref<48xi32, #tpu.memory_space<vmem>>
    %dma_start3A_6 = arith.constant 0 : i32
    %dma_start3A_7 = arith.constant 0 : i32
    %dma_start3A_8 = tpu.memref_slice %arg2[%dma_start3A_6, %dma_start3A_7] : memref<1000x896xf32, #tpu.memory_space<hbm>> -> memref<1000x896xf32, #tpu.memory_space<hbm>>
    tpu.enqueue_indirect_dma source(%dma_start3A_8 : memref<1000x896xf32, #tpu.memory_space<hbm>>) target(%arg6 : memref<48x896xf32, #tpu.memory_space<vmem>>) offsets(%dma_start3A_5 : memref<48xi32, #tpu.memory_space<vmem>>) semaphore(%arg8 : memref<!tpu.dma_semaphore, #tpu.memory_space<semaphore_mem>>)
    %dma_start3A_9 = arith.constant 48 : i32
    %dma_start3A_10 = tpu.memref_slice %arg5[%dma_start3A_9] : memref<1536xi32, #tpu.memory_space<vmem>> -> memref<48xi32, #tpu.memory_space<vmem>>
    %dma_start3A_11 = arith.constant 0 : i32
    %dma_start3A_12 = arith.constant 0 : i32
    %dma_start3A_13 = tpu.memref_slice %arg2[%dma_start3A_11, %dma_start3A_12] : memref<1000x896xf32, #tpu.memory_space<hbm>> -> memref<1000x896xf32, #tpu.memory_space<hbm>>
    tpu.enqueue_indirect_dma source(%dma_start3A_13 : memref<1000x896xf32, #tpu.memory_space<hbm>>) target(%arg7 : memref<48x896xf32, #tpu.memory_space<vmem>>) offsets(%dma_start3A_10 : memref<48xi32, #tpu.memory_space<vmem>>) semaphore(%arg9 : memref<!tpu.dma_semaphore, #tpu.memory_space<semaphore_mem>>)
    %scan3A = arith.constant 0 : i32
    %scan3A_14 = arith.constant 0 : i32
    %scan3A_15 = arith.constant 15 : i32
    %scan3A_16 = arith.addi %scan3A_14, %scan3A_15 : i32
    %scan3A_17 = arith.constant 1 : i32
    scf.for %scan3A_36 = %scan3A_14 to %scan3A_16 step %scan3A_17  : i32 {
      %mul3A_37 = arith.constant 2 : i32
      %mul3A_38 = arith.muli %mul3A_37, %scan3A_36 : i32
      %mul3A_39 = arith.constant 32 : i32
      %mul3A_40 = arith.muli %add3A, %mul3A_39 : i32
      %add3A_41 = arith.addi %mul3A_40, %mul3A_38 : i32
      %dma_wait3A_42 = arith.constant 0 : i32
      %dma_wait3A_43 = tpu.memref_slice %arg5[%dma_wait3A_42] : memref<1536xi32, #tpu.memory_space<vmem>> -> memref<48xi32, #tpu.memory_space<vmem>>
      %dma_wait3A_44 = arith.constant 0 : i32
      %dma_wait3A_45 = arith.constant 0 : i32
      %dma_wait3A_46 = tpu.memref_slice %arg2[%dma_wait3A_44, %dma_wait3A_45] : memref<1000x896xf32, #tpu.memory_space<hbm>> -> memref<1000x896xf32, #tpu.memory_space<hbm>>
      tpu.wait_indirect_dma semaphore(%arg8 : memref<!tpu.dma_semaphore, #tpu.memory_space<semaphore_mem>>) src(%dma_wait3A_46 : memref<1000x896xf32, #tpu.memory_space<hbm>>) dst(%arg6 : memref<48x896xf32, #tpu.memory_space<vmem>>)
      "tpu.region"() ({
        %run_scoped3A = tpu.sem_alloc : memref<!tpu.dma_semaphore, #tpu.memory_space<semaphore_mem>>
        %dma_start3A_73 = arith.constant 0 : i32
        %dma_start3A_74 = arith.constant 0 : i32
        %dma_start3A_75 = tpu.memref_slice %arg4[%add3A_41, %dma_start3A_73, %dma_start3A_74] : memref<1024x50x1000xf32, #tpu.memory_space<hbm>> -> memref<1x48x896xf32, #tpu.memory_space<hbm>>
        %dma_start3A_76 = tpu.memref_squeeze %dma_start3A_75 : memref<1x48x896xf32, #tpu.memory_space<hbm>> -> memref<48x896xf32, #tpu.memory_space<hbm>>
        %dma_start3A_77 = arith.constant 0 : i32
        %dma_start3A_78 = arith.constant 0 : i32
        %dma_start3A_79 = tpu.memref_slice %arg4[%add3A_41, %dma_start3A_77, %dma_start3A_78] : memref<1024x50x1000xf32, #tpu.memory_space<hbm>> -> memref<1x48x896xf32, #tpu.memory_space<hbm>>
        %dma_start3A_80 = tpu.memref_squeeze %dma_start3A_79 : memref<1x48x896xf32, #tpu.memory_space<hbm>> -> memref<48x896xf32, #tpu.memory_space<hbm>>
        tpu.enqueue_dma source(%arg6 : memref<48x896xf32, #tpu.memory_space<vmem>>) target(%dma_start3A_80 : memref<48x896xf32, #tpu.memory_space<hbm>>) target_semaphore(%run_scoped3A : memref<!tpu.dma_semaphore, #tpu.memory_space<semaphore_mem>>)
        %dma_wait3A_81 = arith.constant 0 : i32
        %dma_wait3A_82 = arith.constant 0 : i32
        %dma_wait3A_83 = tpu.memref_slice %arg4[%add3A_41, %dma_wait3A_81, %dma_wait3A_82] : memref<1024x50x1000xf32, #tpu.memory_space<hbm>> -> memref<1x48x896xf32, #tpu.memory_space<hbm>>
        %dma_wait3A_84 = tpu.memref_squeeze %dma_wait3A_83 : memref<1x48x896xf32, #tpu.memory_space<hbm>> -> memref<48x896xf32, #tpu.memory_space<hbm>>
        %dma_wait3A_85 = arith.constant 0 : i32
        %dma_wait3A_86 = arith.constant 0 : i32
        %dma_wait3A_87 = tpu.memref_slice %arg4[%add3A_41, %dma_wait3A_85, %dma_wait3A_86] : memref<1024x50x1000xf32, #tpu.memory_space<hbm>> -> memref<1x48x896xf32, #tpu.memory_space<hbm>>
        %dma_wait3A_88 = tpu.memref_squeeze %dma_wait3A_87 : memref<1x48x896xf32, #tpu.memory_space<hbm>> -> memref<48x896xf32, #tpu.memory_space<hbm>>
        tpu.wait_dma2 semaphore(%run_scoped3A : memref<!tpu.dma_semaphore, #tpu.memory_space<semaphore_mem>>) src(%arg6 : memref<48x896xf32, #tpu.memory_space<vmem>>) dst(%dma_wait3A_88 : memref<48x896xf32, #tpu.memory_space<hbm>>)
        tpu.yield
      }) : () -> ()
      %add3A_47 = arith.constant 2 : i32
      %add3A_48 = arith.addi %mul3A_38, %add3A_47 : i32
      %mul3A_49 = arith.constant 48 : i32
      %mul3A_50 = arith.muli %add3A_48, %mul3A_49 : i32
      %dma_start3A_51 = tpu.memref_slice %arg5[%mul3A_50] : memref<1536xi32, #tpu.memory_space<vmem>> -> memref<48xi32, #tpu.memory_space<vmem>>
      %dma_start3A_52 = arith.constant 0 : i32
      %dma_start3A_53 = arith.constant 0 : i32
      %dma_start3A_54 = tpu.memref_slice %arg2[%dma_start3A_52, %dma_start3A_53] : memref<1000x896xf32, #tpu.memory_space<hbm>> -> memref<1000x896xf32, #tpu.memory_space<hbm>>
      tpu.enqueue_indirect_dma source(%dma_start3A_54 : memref<1000x896xf32, #tpu.memory_space<hbm>>) target(%arg6 : memref<48x896xf32, #tpu.memory_space<vmem>>) offsets(%dma_start3A_51 : memref<48xi32, #tpu.memory_space<vmem>>) semaphore(%arg8 : memref<!tpu.dma_semaphore, #tpu.memory_space<semaphore_mem>>)
      %add3A_55 = arith.constant 1 : i32
      %add3A_56 = arith.addi %mul3A_38, %add3A_55 : i32
      %mul3A_57 = arith.constant 32 : i32
      %mul3A_58 = arith.muli %add3A, %mul3A_57 : i32
      %add3A_59 = arith.addi %mul3A_58, %add3A_56 : i32
      %dma_wait3A_60 = arith.constant 0 : i32
      %dma_wait3A_61 = tpu.memref_slice %arg5[%dma_wait3A_60] : memref<1536xi32, #tpu.memory_space<vmem>> -> memref<48xi32, #tpu.memory_space<vmem>>
      %dma_wait3A_62 = arith.constant 0 : i32
      %dma_wait3A_63 = arith.constant 0 : i32
      %dma_wait3A_64 = tpu.memref_slice %arg2[%dma_wait3A_62, %dma_wait3A_63] : memref<1000x896xf32, #tpu.memory_space<hbm>> -> memref<1000x896xf32, #tpu.memory_space<hbm>>
      tpu.wait_indirect_dma semaphore(%arg9 : memref<!tpu.dma_semaphore, #tpu.memory_space<semaphore_mem>>) src(%dma_wait3A_64 : memref<1000x896xf32, #tpu.memory_space<hbm>>) dst(%arg7 : memref<48x896xf32, #tpu.memory_space<vmem>>)
      "tpu.region"() ({
        %run_scoped3A = tpu.sem_alloc : memref<!tpu.dma_semaphore, #tpu.memory_space<semaphore_mem>>
        %dma_start3A_73 = arith.constant 0 : i32
        %dma_start3A_74 = arith.constant 0 : i32
        %dma_start3A_75 = tpu.memref_slice %arg4[%add3A_59, %dma_start3A_73, %dma_start3A_74] : memref<1024x50x1000xf32, #tpu.memory_space<hbm>> -> memref<1x48x896xf32, #tpu.memory_space<hbm>>
        %dma_start3A_76 = tpu.memref_squeeze %dma_start3A_75 : memref<1x48x896xf32, #tpu.memory_space<hbm>> -> memref<48x896xf32, #tpu.memory_space<hbm>>
        %dma_start3A_77 = arith.constant 0 : i32
        %dma_start3A_78 = arith.constant 0 : i32
        %dma_start3A_79 = tpu.memref_slice %arg4[%add3A_59, %dma_start3A_77, %dma_start3A_78] : memref<1024x50x1000xf32, #tpu.memory_space<hbm>> -> memref<1x48x896xf32, #tpu.memory_space<hbm>>
        %dma_start3A_80 = tpu.memref_squeeze %dma_start3A_79 : memref<1x48x896xf32, #tpu.memory_space<hbm>> -> memref<48x896xf32, #tpu.memory_space<hbm>>
        tpu.enqueue_dma source(%arg7 : memref<48x896xf32, #tpu.memory_space<vmem>>) target(%dma_start3A_80 : memref<48x896xf32, #tpu.memory_space<hbm>>) target_semaphore(%run_scoped3A : memref<!tpu.dma_semaphore, #tpu.memory_space<semaphore_mem>>)
        %dma_wait3A_81 = arith.constant 0 : i32
        %dma_wait3A_82 = arith.constant 0 : i32
        %dma_wait3A_83 = tpu.memref_slice %arg4[%add3A_59, %dma_wait3A_81, %dma_wait3A_82] : memref<1024x50x1000xf32, #tpu.memory_space<hbm>> -> memref<1x48x896xf32, #tpu.memory_space<hbm>>
        %dma_wait3A_84 = tpu.memref_squeeze %dma_wait3A_83 : memref<1x48x896xf32, #tpu.memory_space<hbm>> -> memref<48x896xf32, #tpu.memory_space<hbm>>
        %dma_wait3A_85 = arith.constant 0 : i32
        %dma_wait3A_86 = arith.constant 0 : i32
        %dma_wait3A_87 = tpu.memref_slice %arg4[%add3A_59, %dma_wait3A_85, %dma_wait3A_86] : memref<1024x50x1000xf32, #tpu.memory_space<hbm>> -> memref<1x48x896xf32, #tpu.memory_space<hbm>>
        %dma_wait3A_88 = tpu.memref_squeeze %dma_wait3A_87 : memref<1x48x896xf32, #tpu.memory_space<hbm>> -> memref<48x896xf32, #tpu.memory_space<hbm>>
        tpu.wait_dma2 semaphore(%run_scoped3A : memref<!tpu.dma_semaphore, #tpu.memory_space<semaphore_mem>>) src(%arg7 : memref<48x896xf32, #tpu.memory_space<vmem>>) dst(%dma_wait3A_88 : memref<48x896xf32, #tpu.memory_space<hbm>>)
        tpu.yield
      }) : () -> ()
      %add3A_65 = arith.constant 3 : i32
      %add3A_66 = arith.addi %mul3A_38, %add3A_65 : i32
      %mul3A_67 = arith.constant 48 : i32
      %mul3A_68 = arith.muli %add3A_66, %mul3A_67 : i32
      %dma_start3A_69 = tpu.memref_slice %arg5[%mul3A_68] : memref<1536xi32, #tpu.memory_space<vmem>> -> memref<48xi32, #tpu.memory_space<vmem>>
      %dma_start3A_70 = arith.constant 0 : i32
      %dma_start3A_71 = arith.constant 0 : i32
      %dma_start3A_72 = tpu.memref_slice %arg2[%dma_start3A_70, %dma_start3A_71] : memref<1000x896xf32, #tpu.memory_space<hbm>> -> memref<1000x896xf32, #tpu.memory_space<hbm>>
      tpu.enqueue_indirect_dma source(%dma_start3A_72 : memref<1000x896xf32, #tpu.memory_space<hbm>>) target(%arg7 : memref<48x896xf32, #tpu.memory_space<vmem>>) offsets(%dma_start3A_69 : memref<48xi32, #tpu.memory_space<vmem>>) semaphore(%arg9 : memref<!tpu.dma_semaphore, #tpu.memory_space<semaphore_mem>>)
    }
    %scan3A_18 = arith.constant 15 : i32
    %mul3A_19 = arith.constant 32 : i32
    %mul3A_20 = arith.muli %add3A, %mul3A_19 : i32
    %add3A_21 = arith.constant 30 : i32
    %add3A_22 = arith.addi %mul3A_20, %add3A_21 : i32
    %dma_wait3A = arith.constant 0 : i32
    %dma_wait3A_23 = tpu.memref_slice %arg5[%dma_wait3A] : memref<1536xi32, #tpu.memory_space<vmem>> -> memref<48xi32, #tpu.memory_space<vmem>>
    %dma_wait3A_24 = arith.constant 0 : i32
    %dma_wait3A_25 = arith.constant 0 : i32
    %dma_wait3A_26 = tpu.memref_slice %arg2[%dma_wait3A_24, %dma_wait3A_25] : memref<1000x896xf32, #tpu.memory_space<hbm>> -> memref<1000x896xf32, #tpu.memory_space<hbm>>
    tpu.wait_indirect_dma semaphore(%arg8 : memref<!tpu.dma_semaphore, #tpu.memory_space<semaphore_mem>>) src(%dma_wait3A_26 : memref<1000x896xf32, #tpu.memory_space<hbm>>) dst(%arg6 : memref<48x896xf32, #tpu.memory_space<vmem>>)
    "tpu.region"() ({
      %run_scoped3A = tpu.sem_alloc : memref<!tpu.dma_semaphore, #tpu.memory_space<semaphore_mem>>
      %dma_start3A_36 = arith.constant 0 : i32
      %dma_start3A_37 = arith.constant 0 : i32
      %dma_start3A_38 = tpu.memref_slice %arg4[%add3A_22, %dma_start3A_36, %dma_start3A_37] : memref<1024x50x1000xf32, #tpu.memory_space<hbm>> -> memref<1x48x896xf32, #tpu.memory_space<hbm>>
      %dma_start3A_39 = tpu.memref_squeeze %dma_start3A_38 : memref<1x48x896xf32, #tpu.memory_space<hbm>> -> memref<48x896xf32, #tpu.memory_space<hbm>>
      %dma_start3A_40 = arith.constant 0 : i32
      %dma_start3A_41 = arith.constant 0 : i32
      %dma_start3A_42 = tpu.memref_slice %arg4[%add3A_22, %dma_start3A_40, %dma_start3A_41] : memref<1024x50x1000xf32, #tpu.memory_space<hbm>> -> memref<1x48x896xf32, #tpu.memory_space<hbm>>
      %dma_start3A_43 = tpu.memref_squeeze %dma_start3A_42 : memref<1x48x896xf32, #tpu.memory_space<hbm>> -> memref<48x896xf32, #tpu.memory_space<hbm>>
      tpu.enqueue_dma source(%arg6 : memref<48x896xf32, #tpu.memory_space<vmem>>) target(%dma_start3A_43 : memref<48x896xf32, #tpu.memory_space<hbm>>) target_semaphore(%run_scoped3A : memref<!tpu.dma_semaphore, #tpu.memory_space<semaphore_mem>>)
      %dma_wait3A_44 = arith.constant 0 : i32
      %dma_wait3A_45 = arith.constant 0 : i32
      %dma_wait3A_46 = tpu.memref_slice %arg4[%add3A_22, %dma_wait3A_44, %dma_wait3A_45] : memref<1024x50x1000xf32, #tpu.memory_space<hbm>> -> memref<1x48x896xf32, #tpu.memory_space<hbm>>
      %dma_wait3A_47 = tpu.memref_squeeze %dma_wait3A_46 : memref<1x48x896xf32, #tpu.memory_space<hbm>> -> memref<48x896xf32, #tpu.memory_space<hbm>>
      %dma_wait3A_48 = arith.constant 0 : i32
      %dma_wait3A_49 = arith.constant 0 : i32
      %dma_wait3A_50 = tpu.memref_slice %arg4[%add3A_22, %dma_wait3A_48, %dma_wait3A_49] : memref<1024x50x1000xf32, #tpu.memory_space<hbm>> -> memref<1x48x896xf32, #tpu.memory_space<hbm>>
      %dma_wait3A_51 = tpu.memref_squeeze %dma_wait3A_50 : memref<1x48x896xf32, #tpu.memory_space<hbm>> -> memref<48x896xf32, #tpu.memory_space<hbm>>
      tpu.wait_dma2 semaphore(%run_scoped3A : memref<!tpu.dma_semaphore, #tpu.memory_space<semaphore_mem>>) src(%arg6 : memref<48x896xf32, #tpu.memory_space<vmem>>) dst(%dma_wait3A_51 : memref<48x896xf32, #tpu.memory_space<hbm>>)
      tpu.yield
    }) : () -> ()
    %mul3A_27 = arith.constant 32 : i32
    %mul3A_28 = arith.muli %add3A, %mul3A_27 : i32
    %add3A_29 = arith.constant 31 : i32
    %add3A_30 = arith.addi %mul3A_28, %add3A_29 : i32
    %dma_wait3A_31 = arith.constant 0 : i32
    %dma_wait3A_32 = tpu.memref_slice %arg5[%dma_wait3A_31] : memref<1536xi32, #tpu.memory_space<vmem>> -> memref<48xi32, #tpu.memory_space<vmem>>
    %dma_wait3A_33 = arith.constant 0 : i32
    %dma_wait3A_34 = arith.constant 0 : i32
    %dma_wait3A_35 = tpu.memref_slice %arg2[%dma_wait3A_33, %dma_wait3A_34] : memref<1000x896xf32, #tpu.memory_space<hbm>> -> memref<1000x896xf32, #tpu.memory_space<hbm>>
    tpu.wait_indirect_dma semaphore(%arg9 : memref<!tpu.dma_semaphore, #tpu.memory_space<semaphore_mem>>) src(%dma_wait3A_35 : memref<1000x896xf32, #tpu.memory_space<hbm>>) dst(%arg7 : memref<48x896xf32, #tpu.memory_space<vmem>>)
    "tpu.region"() ({
      %run_scoped3A = tpu.sem_alloc : memref<!tpu.dma_semaphore, #tpu.memory_space<semaphore_mem>>
      %dma_start3A_36 = arith.constant 0 : i32
      %dma_start3A_37 = arith.constant 0 : i32
      %dma_start3A_38 = tpu.memref_slice %arg4[%add3A_30, %dma_start3A_36, %dma_start3A_37] : memref<1024x50x1000xf32, #tpu.memory_space<hbm>> -> memref<1x48x896xf32, #tpu.memory_space<hbm>>
      %dma_start3A_39 = tpu.memref_squeeze %dma_start3A_38 : memref<1x48x896xf32, #tpu.memory_space<hbm>> -> memref<48x896xf32, #tpu.memory_space<hbm>>
      %dma_start3A_40 = arith.constant 0 : i32
      %dma_start3A_41 = arith.constant 0 : i32
      %dma_start3A_42 = tpu.memref_slice %arg4[%add3A_30, %dma_start3A_40, %dma_start3A_41] : memref<1024x50x1000xf32, #tpu.memory_space<hbm>> -> memref<1x48x896xf32, #tpu.memory_space<hbm>>
      %dma_start3A_43 = tpu.memref_squeeze %dma_start3A_42 : memref<1x48x896xf32, #tpu.memory_space<hbm>> -> memref<48x896xf32, #tpu.memory_space<hbm>>
      tpu.enqueue_dma source(%arg7 : memref<48x896xf32, #tpu.memory_space<vmem>>) target(%dma_start3A_43 : memref<48x896xf32, #tpu.memory_space<hbm>>) target_semaphore(%run_scoped3A : memref<!tpu.dma_semaphore, #tpu.memory_space<semaphore_mem>>)
      %dma_wait3A_44 = arith.constant 0 : i32
      %dma_wait3A_45 = arith.constant 0 : i32
      %dma_wait3A_46 = tpu.memref_slice %arg4[%add3A_30, %dma_wait3A_44, %dma_wait3A_45] : memref<1024x50x1000xf32, #tpu.memory_space<hbm>> -> memref<1x48x896xf32, #tpu.memory_space<hbm>>
      %dma_wait3A_47 = tpu.memref_squeeze %dma_wait3A_46 : memref<1x48x896xf32, #tpu.memory_space<hbm>> -> memref<48x896xf32, #tpu.memory_space<hbm>>
      %dma_wait3A_48 = arith.constant 0 : i32
      %dma_wait3A_49 = arith.constant 0 : i32
      %dma_wait3A_50 = tpu.memref_slice %arg4[%add3A_30, %dma_wait3A_48, %dma_wait3A_49] : memref<1024x50x1000xf32, #tpu.memory_space<hbm>> -> memref<1x48x896xf32, #tpu.memory_space<hbm>>
      %dma_wait3A_51 = tpu.memref_squeeze %dma_wait3A_50 : memref<1x48x896xf32, #tpu.memory_space<hbm>> -> memref<48x896xf32, #tpu.memory_space<hbm>>
      tpu.wait_dma2 semaphore(%run_scoped3A : memref<!tpu.dma_semaphore, #tpu.memory_space<semaphore_mem>>) src(%arg7 : memref<48x896xf32, #tpu.memory_space<vmem>>) dst(%dma_wait3A_51 : memref<48x896xf32, #tpu.memory_space<hbm>>)
      tpu.yield
    }) : () -> ()
    return
  }
}

module attributes {stable_mosaic.version = 14 : i64} {
  func.func @_edge_body(%arg0: i32, %arg1: memref<1600x1xi32, #tpu.memory_space<vmem>>, %arg2: memref<1000x104xf32, #tpu.memory_space<vmem>>, %arg3: memref<1600x104xf32, #tpu.memory_space<vmem>>) attributes {dimension_semantics = [#tpu.dimension_semantics<arbitrary>], iteration_bounds = array<i64: 32>, scalar_prefetch = 0 : i64, scratch_operands = 0 : i64, tpu.core_type = #tpu.core_type<tc>, window_params = [{transform_indices = @transform_0, window_bounds = array<i64: 1600, 1>}, {pipeline_mode = #tpu.pipeline_mode<synchronous>, transform_indices = @transform_1, window_bounds = array<i64: 1000, 104>}, {transform_indices = @transform_2, window_bounds = array<i64: 1600, 104>}]} {
    %get3A = arith.constant 0 : index
    %get3A_0 = arith.constant 0 : index
    %get3A_1 = vector.load %arg1[%get3A, %get3A_0] : memref<1600x1xi32, #tpu.memory_space<vmem>>, vector<1600x1xi32>
    %iota3A = tpu.iota {dimensions = array<i32: 1>} : vector<1600x1000xi32>
    %eq3A = vector.broadcast %get3A_1 : vector<1600x1xi32> to vector<1600x1000xi32>
    %eq3A_2 = arith.cmpi eq, %eq3A, %iota3A : vector<1600x1000xi32>
    %convert_element_type3A = arith.extui %eq3A_2 : vector<1600x1000xi1> to vector<1600x1000xi32>
    %convert_element_type3A_3 = arith.sitofp %convert_element_type3A : vector<1600x1000xi32> to vector<1600x1000xf32>
    %convert_element_type3A_4 = arith.truncf %convert_element_type3A_3 : vector<1600x1000xf32> to vector<1600x1000xbf16>
    %get3A_5 = arith.constant 0 : index
    %get3A_6 = arith.constant 0 : index
    %get3A_7 = vector.load %arg2[%get3A_5, %get3A_6] : memref<1000x104xf32, #tpu.memory_space<vmem>>, vector<1000x104xf32>
    %convert_element_type3A_8 = arith.truncf %get3A_7 : vector<1000x104xf32> to vector<1000x104xbf16>
    %dot_general3A = arith.constant dense<0.000000e+00> : vector<1600x104xf32>
    %dot_general3A_9 = tpu.matmul %convert_element_type3A_4, %convert_element_type3A_8, %dot_general3A {dimension_numbers = #tpu.dot_dimension_numbers<[1], [0], [0], [1], [0, 0, 1, 1], [], []>, transpose_lhs_hint = false} : vector<1600x1000xbf16>, vector<1000x104xbf16>, vector<1600x104xf32> -> vector<1600x104xf32>
    %swap3A = arith.constant 0 : index
    %swap3A_10 = arith.constant 0 : index
    %swap3A_11 = vector.load %arg3[%swap3A, %swap3A_10] : memref<1600x104xf32, #tpu.memory_space<vmem>>, vector<1600x104xf32>
    tpu.vector_store %arg3[%swap3A, %swap3A_10], %dot_general3A_9 {strides = array<i32>} : memref<1600x104xf32, #tpu.memory_space<vmem>>, vector<1600x104xf32>,
    return
  }
  func.func @transform_0(%arg0: i32) -> (i32, i32) {
    %c0_i32 = arith.constant 0 : i32
    %c0_i32_0 = arith.constant 0 : i32
    return %arg0, %c0_i32 : i32, i32
  }
  func.func @transform_1(%arg0: i32) -> (i32, i32) {
    %c0_i32 = arith.constant 0 : i32
    %c0_i32_0 = arith.constant 0 : i32
    %c0_i32_1 = arith.constant 0 : i32
    return %c0_i32, %c0_i32_0 : i32, i32
  }
  func.func @transform_2(%arg0: i32) -> (i32, i32) {
    %c0_i32 = arith.constant 0 : i32
    %c0_i32_0 = arith.constant 0 : i32
    return %arg0, %c0_i32 : i32, i32
  }
}

module attributes {stable_mosaic.version = 14 : i64} {
  func.func @_table_body(%arg0: memref<1000x64xf32, #tpu.memory_space<vmem>>, %arg1: memref<64x1024xf32, #tpu.memory_space<vmem>>, %arg2: memref<1x1024xf32, #tpu.memory_space<vmem>>, %arg3: memref<1000x896xf32, #tpu.memory_space<vmem>>, %arg4: memref<1000x104xf32, #tpu.memory_space<vmem>>) attributes {dimension_semantics = [], scalar_prefetch = 0 : i64, scratch_operands = 0 : i64, tpu.core_type = #tpu.core_type<tc>} {
    %get3A = arith.constant 0 : index
    %get3A_0 = arith.constant 0 : index
    %get3A_1 = vector.load %arg0[%get3A, %get3A_0] : memref<1000x64xf32, #tpu.memory_space<vmem>>, vector<1000x64xf32>
    %get3A_2 = arith.constant 0 : index
    %get3A_3 = arith.constant 0 : index
    %get3A_4 = vector.load %arg1[%get3A_2, %get3A_3] : memref<64x1024xf32, #tpu.memory_space<vmem>>, vector<64x1024xf32>
    %dot_general3A = arith.constant dense<0.000000e+00> : vector<1000x1024xf32>
    %dot_general3A_5 = tpu.matmul %get3A_1, %get3A_4, %dot_general3A {dimension_numbers = #tpu.dot_dimension_numbers<[1], [0], [0], [1], [0, 0, 1, 1], [], []>, precision = #tpu.contract_precision<fp32>, transpose_lhs_hint = false} : vector<1000x64xf32>, vector<64x1024xf32>, vector<1000x1024xf32> -> vector<1000x1024xf32>
    %get3A_6 = arith.constant 0 : index
    %get3A_7 = arith.constant 0 : index
    %get3A_8 = vector.load %arg2[%get3A_6, %get3A_7] : memref<1x1024xf32, #tpu.memory_space<vmem>>, vector<1x1024xf32>
    %add3A = vector.broadcast %get3A_8 : vector<1x1024xf32> to vector<1000x1024xf32>
    %add3A_9 = arith.addf %dot_general3A_5, %add3A : vector<1000x1024xf32>
    %slice3A = vector.extract_strided_slice %add3A_9 {offsets = [0, 0], sizes = [1000, 896], strides = [1, 1]} : vector<1000x1024xf32> to vector<1000x896xf32>
    %swap3A = arith.constant 0 : index
    %swap3A_10 = arith.constant 0 : index
    %swap3A_11 = vector.load %arg3[%swap3A, %swap3A_10] : memref<1000x896xf32, #tpu.memory_space<vmem>>, vector<1000x896xf32>
    tpu.vector_store %arg3[%swap3A, %swap3A_10], %slice3A {strides = array<i32>} : memref<1000x896xf32, #tpu.memory_space<vmem>>, vector<1000x896xf32>,
    %slice3A_12 = vector.extract_strided_slice %add3A_9 {offsets = [0, 896], sizes = [1000, 104], strides = [1, 1]} : vector<1000x1024xf32> to vector<1000x104xf32>
    %swap3A_13 = arith.constant 0 : index
    %swap3A_14 = arith.constant 0 : index
    %swap3A_15 = vector.load %arg4[%swap3A_13, %swap3A_14] : memref<1000x104xf32, #tpu.memory_space<vmem>>, vector<1000x104xf32>
    tpu.vector_store %arg4[%swap3A_13, %swap3A_14], %slice3A_12 {strides = array<i32>} : memref<1000x104xf32, #tpu.memory_space<vmem>>, vector<1000x104xf32>,
    return
  }
}

module attributes {stable_mosaic.version = 14 : i64} {
  func.func @_edge_body(%arg0: i32, %arg1: memref<512x1xi32, #tpu.memory_space<vmem>>, %arg2: memref<1000x896xf32, #tpu.memory_space<vmem>>, %arg3: memref<512x896xf32, #tpu.memory_space<vmem>>) attributes {dimension_semantics = [#tpu.dimension_semantics<arbitrary>], iteration_bounds = array<i64: 4>, scalar_prefetch = 0 : i64, scratch_operands = 0 : i64, tpu.core_type = #tpu.core_type<tc>, window_params = [{transform_indices = @transform_0, window_bounds = array<i64: 512, 1>}, {pipeline_mode = #tpu.pipeline_mode<synchronous>, transform_indices = @transform_1, window_bounds = array<i64: 1000, 896>}, {transform_indices = @transform_2, window_bounds = array<i64: 512, 896>}]} {
    %get3A = arith.constant 0 : index
    %get3A_0 = arith.constant 0 : index
    %get3A_1 = vector.load %arg1[%get3A, %get3A_0] : memref<512x1xi32, #tpu.memory_space<vmem>>, vector<512x1xi32>
    %iota3A = tpu.iota {dimensions = array<i32: 1>} : vector<512x1000xi32>
    %eq3A = vector.broadcast %get3A_1 : vector<512x1xi32> to vector<512x1000xi32>
    %eq3A_2 = arith.cmpi eq, %eq3A, %iota3A : vector<512x1000xi32>
    %convert_element_type3A = arith.extui %eq3A_2 : vector<512x1000xi1> to vector<512x1000xi32>
    %convert_element_type3A_3 = arith.sitofp %convert_element_type3A : vector<512x1000xi32> to vector<512x1000xf32>
    %convert_element_type3A_4 = arith.truncf %convert_element_type3A_3 : vector<512x1000xf32> to vector<512x1000xbf16>
    %get3A_5 = arith.constant 0 : index
    %get3A_6 = arith.constant 0 : index
    %get3A_7 = vector.load %arg2[%get3A_5, %get3A_6] : memref<1000x896xf32, #tpu.memory_space<vmem>>, vector<1000x896xf32>
    %convert_element_type3A_8 = arith.truncf %get3A_7 : vector<1000x896xf32> to vector<1000x896xbf16>
    %dot_general3A = arith.constant dense<0.000000e+00> : vector<512x896xf32>
    %dot_general3A_9 = tpu.matmul %convert_element_type3A_4, %convert_element_type3A_8, %dot_general3A {dimension_numbers = #tpu.dot_dimension_numbers<[1], [0], [0], [1], [0, 0, 1, 1], [], []>, transpose_lhs_hint = false} : vector<512x1000xbf16>, vector<1000x896xbf16>, vector<512x896xf32> -> vector<512x896xf32>
    %swap3A = arith.constant 0 : index
    %swap3A_10 = arith.constant 0 : index
    %swap3A_11 = vector.load %arg3[%swap3A, %swap3A_10] : memref<512x896xf32, #tpu.memory_space<vmem>>, vector<512x896xf32>
    tpu.vector_store %arg3[%swap3A, %swap3A_10], %dot_general3A_9 {strides = array<i32>} : memref<512x896xf32, #tpu.memory_space<vmem>>, vector<512x896xf32>,
    return
  }
  func.func @transform_0(%arg0: i32) -> (i32, i32) {
    %c0_i32 = arith.constant 0 : i32
    %c0_i32_0 = arith.constant 0 : i32
    return %arg0, %c0_i32 : i32, i32
  }
  func.func @transform_1(%arg0: i32) -> (i32, i32) {
    %c0_i32 = arith.constant 0 : i32
    %c0_i32_0 = arith.constant 0 : i32
    %c0_i32_1 = arith.constant 0 : i32
    return %c0_i32, %c0_i32_0 : i32, i32
  }
  func.func @transform_2(%arg0: i32) -> (i32, i32) {
    %c0_i32 = arith.constant 0 : i32
    %c0_i32_0 = arith.constant 0 : i32
    return %arg0, %c0_i32 : i32, i32
  }
}

</mosaic_0001>

<sc_bundles>
// kernel: kernel.6.cloned.1.call-start
scs
__scs_entry_jumppad:
0x0: {  	(pc) =	sbr.rel $0x88, $3  }
0x1: {  	(tag) =	ssettag $0x0;
	lr =	simm.s32 $0x1  }
0x2: {  	[smem:$0x3F9D] =	sst lr;
	_ =	strace $0xD0000000  }
0x3: {  	_ = 	snop  }
0x4: {  	_ = 	snop  }
0x5: {  	_ = 	snop  }
0x6: {  	_ = 	snop  }
0x7: {  	_ = 	snop  }
__scs_overlays_trampoline_lowered:
0x8: {  	[smem:$0x3FAC] =	sst s0  }
0x9: {  	[smem:$0x3FAD] =	sst s1  }
0xa: {  	[smem:$0x3FAE] =	sst s2  }
0xb: {  	[smem:$0x3FAF] =	sst s3  }
0xc: {  	[smem:$0x3FB0] =	sst s4  }
0xd: {  	[smem:$0x3FB1] =	sst s5  }
0xe: {  	[smem:$0x3FB2] =	sst s6  }
0xf: {  	[smem:$0x3FB3] =	sst s7  }
0x10: {  	[smem:$0x3FB4] =	sst s8  }
0x11: {  	[smem:$0x3FB5] =	sst s9;
	s0 =	simm.s32 @!p0 $0x0  }
0x12: {  	s1 =	sld [smem:$0x3F9B];
	s0 =	simm.s32 @p0 $0x1  }
0x13: {  	[smem:$0x3FB6] =	sst s0;
	s0 =	simm.s32 @!p1 $0x0  }
0x14: {  	s2 =	sld [smem:$0x3F9A];
	s0 =	simm.s32 @p1 $0x1  }
0x15: {  	[smem:$0x3FB7] =	sst s0;
	s0 =	simm.s32 @!p2 $0x0  }
0x16: {  	s3 =	sld [smem:$0x3FDB];
	s0 =	simm.s32 @p2 $0x1  }
0x17: {  	s4 =	simm.s32 $0x1BF5;
	[smem:$0x3FB9] =	sst s0  }
0x18: {  	s0 =	sld [smem:$0x3F9C];
	_ =	swait.ge [sflag:s4], $0x0  }
0x19: {  	s7 =	sld [smem:$0x3F9D]  }
0x1a: {  	s8 =	sadd.s32 $0xFFFFE003, lr  }
0x1b: {  	s9 =	sadd.s32 $0xFFFFFEF7, lr;
	s5 =	simm.s32 $0xFFFFFFFF;
	p2 =	slt.u32 s8, $0xFFFFF086  }
0x1c: {  	p1 =	slt.u32 s9, $0xF7A;
	s5 =	simm.s32 @!p2 $0x0  }
0x1d: {  	s5 =	simm.s32 @p1 $0x1;
	p0 =	seq.s32 s7, s2  }
0x1e: {  	s7 =	smul.u32 @!p0 $0xF7A, s2;
	p2 =	seq.s32 @!p0 s5, $0x0  }
0x1f: {  	s9 =	smul.u32 $0xF7A, s1;
	s8 =	simm.s32 @!p0 $0x1BF5;
	p2 =	por !p2, p0  }
0x20: {  	[sflag:s8] =	ssyncset.s32 @!p0 $0xFFFFF086;
	s6 =	sadd.s32 @!p0 s3, s7;
	s7 =	simm.s32 @!p0 $0x108  }
0x21: {  	s3 =	sadd.s32 s3, s9;
	s6 =	sadd.s32 @!p0 $0x88, s6;
	s7 =	simm.s32 @p2 $0x1082  }
0x22: {  	[simem:s7], [sflag:s8] =	dma.local @!p0 [hbm:s6], $0xF7A  }
0x23: {  	s9 =	sor.u32 $0xD0000000, s2;
	s6 =	simm.s32 $0x108;
	_ =	swait.ge @!p0 [sflag:s8], $0x0  }
0x24: {  	s3 =	sadd.s32 $0x88, s3;
	s6 =	simm.s32 @!p1 $0x1082;
	[sflag:s4] =	ssyncset.s32 $0xFFFFF086  }
0x25: {  	[simem:s6], [sflag:s4] =	dma.local [hbm:s3], $0xF7A  }
0x26: {  	[smem:$0x3F9D] =	sst s1;
	(tag) =	ssettag s2;
	_ =	strace s9  }
0x27: {  	s1 =	sld [smem:$0x3FAD]  }
0x28: {  	s2 =	sld [smem:$0x3FAE]  }
0x29: {  	s4 =	sld [smem:$0x3FB0]  }
0x2a: {  	p0 =	seq.s32 s5, $0x0;
	s5 =	sld [smem:$0x3FB1]  }
0x2b: {  	s6 =	sld [smem:$0x3FB2]  }
0x2c: {  	s7 =	sld [smem:$0x3FB3]  }
0x2d: {  	s3 =	simm.s32 $0x108;
	s8 =	sld [smem:$0x3FB4]  }
0x2e: {  	s3 =	simm.s32 @!p0 $0x1082;
	s9 =	sld [smem:$0x3FB5]  }
0x2f: {  	lr =	sadd.s32 s0, s3;
	s0 =	sld [smem:$0x3FAC]  }
0x30: {  	s3 =	sld [smem:$0x3FAF]  }
0x31: {  	[smem:$0x3FB8] =	sst s10  }
0x32: {  	s10 =	sld [smem:$0x3FB6];
	_ =	sdelay $0x3  }
0x33: {  	p0 =	seq.s32 s10, $0x1;
	s10 =	sld [smem:$0x3FB8];
	_ =	sdelay $0x3  }
0x34: {  	[smem:$0x3FB8] =	sst s10  }
0x35: {  	s10 =	sld [smem:$0x3FB7];
	_ =	sdelay $0x3  }
0x36: {  	p1 =	seq.s32 s10, $0x1;
	s10 =	sld [smem:$0x3FB8];
	_ =	sdelay $0x3  }
0x37: {  	[smem:$0x3FB8] =	sst s10  }
0x38: {  	s10 =	sld [smem:$0x3FB9]  }
0x39: {  	_ = 	snop;
	(pc) =	sbr.ind lr, $3  }
0x3a: {  	_ = 	snop  }
0x3b: {  	_ = 	snop  }
0x3c: {  	p2 =	seq.s32 s10, $0x1;
	s10 =	sld [smem:$0x3FB8]  }
0x3d: {  	_ =	shalt  }
0x3e: {  	_ =	shalt  }
0x3f: {  	_ =	shalt  }
0x40: {  	_ =	shalt  }
0x41: {  	_ =	shalt  }
0x42: {  	_ =	shalt  }
0x43: {  	_ =	shalt  }
0x44: {  	_ =	shalt  }
0x45: {  	_ =	shalt  }
0x46: {  	_ =	shalt  }
0x47: {  	_ =	shalt  }
0x48: {  	_ =	shalt  }
0x49: {  	_ =	shalt  }
0x4a: {  	_ =	shalt  }
0x4b: {  	_ =	shalt  }
0x4c: {  	_ =	shalt  }
0x4d: {  	_ =	shalt  }
0x4e: {  	_ =	shalt  }
0x4f: {  	_ =	shalt  }
0x50: {  	_ =	shalt  }
0x51: {  	_ =	shalt  }
0x52: {  	_ =	shalt  }
0x53: {  	_ =	shalt  }
0x54: {  	_ =	shalt  }
0x55: {  	_ =	shalt  }
0x56: {  	_ =	shalt  }
0x57: {  	_ =	shalt  }
0x58: {  	_ =	shalt  }
0x59: {  	_ =	shalt  }
0x5a: {  	_ =	shalt  }
0x5b: {  	_ =	shalt  }
0x5c: {  	_ =	shalt  }
0x5d: {  	_ =	shalt  }
0x5e: {  	_ =	shalt  }
0x5f: {  	_ =	shalt  }
0x60: {  	_ =	shalt  }
0x61: {  	_ =	shalt  }
0x62: {  	_ =	shalt  }
0x63: {  	_ =	shalt  }
0x64: {  	_ =	shalt  }
0x65: {  	_ =	shalt  }
0x66: {  	_ =	shalt  }
0x67: {  	_ =	shalt  }
0x68: {  	_ =	shalt  }
0x69: {  	_ =	shalt  }
0x6a: {  	_ =	shalt  }
0x6b: {  	_ =	shalt  }
0x6c: {  	_ =	shalt  }
0x6d: {  	_ =	shalt  }
0x6e: {  	_ =	shalt  }
0x6f: {  	_ =	shalt  }
0x70: {  	_ =	shalt  }
0x71: {  	_ =	shalt  }
0x72: {  	_ =	shalt  }
0x73: {  	_ =	shalt  }
0x74: {  	_ =	shalt  }
0x75: {  	_ =	shalt  }
0x76: {  	_ =	shalt  }
0x77: {  	_ =	shalt  }
0x78: {  	_ =	shalt  }
0x79: {  	_ =	shalt  }
0x7a: {  	_ =	shalt  }
0x7b: {  	_ =	shalt  }
0x7c: {  	_ =	shalt  }
0x7d: {  	_ =	shalt  }
0x7e: {  	_ =	shalt  }
0x7f: {  	_ =	shalt  }
0x80: {  	_ =	shalt  }
0x81: {  	_ =	shalt  }
0x82: {  	_ =	shalt  }
0x83: {  	_ =	shalt  }
0x84: {  	_ =	shalt  }
0x85: {  	_ =	shalt  }
0x86: {  	_ =	shalt  }
0x87: {  	_ =	shalt  }
.Lfunc_end0:
.L_simem_size_0:
called_computation.1_lowered:
.L_overlay_start_0:
0x88: {  	s2 =	sld [smem:$0x3FD9]  }
0x89: {  	s3 =	sld [smem:$0x3FFE];
	_ =	sdelay $0x1  }
0x8a: {  	s1 =	srdreg.scid  }
0x8b: {  	s0 =	sand.u32 $0x1, s1  }
0x8c: {  	s16 =	sshll.u32 s0, $0xA;
	s2 =	sadd.s32 s3, s2  }
0x8d: {  	s2 =	sadd.s32 s2, s16  }
0x8e: {  	[smem:$0x3FC4] =	sst s2  }
0x8f: {  	_ = 	snop  }
0x90: {  	(tm) =	ssettm $0x1  }
0x91: {  	s17 =	sld [smem:$0x3FFB];
	_ =	sdelay $0x3  }
0x92: {  	_ =	strace s17  }
0x93: {  	s2 =	sld [smem:$0x3FFC];
	_ =	sdelay $0x3  }
0x94: {  	_ =	strace s2  }
0x95: {  	s2 =	sld [smem:$0x3FFD];
	_ =	sdelay $0x3  }
0x96: {  	_ =	strace s2  }
0x97: {  	_ =	strace $0x8FFFFFFF  }
0x98: {  	s18 =	sld [smem:$0x3FDB];
	_ =	sdelay $0x1  }
0x99: {  	s19 =	simm.s32 $_scs_section_size  }
0x9a: {  	s4 =	simm.s32 $_size__tile_overlayer_lowered;
	s5 =	simm.s32 $_tile_overlayer_lowered  }
0x9b: {  	s22 =	simm.s32 $0x1BFF;
	s21 =	sshll.u32 s5, $0x1;
	s2 =	sadd.s32 s19, s18  }
0x9c: {  	s6 =	simm.s32 $0x0;
	s20 =	sshll.u32 s4, $0x1;
	s4 =	sadd.s32 s21, s2  }
0x9d: {  	[timem:s6], [sflag:s22] =	dma.local [hbm:s4], s20  }
0x9e: {  	_ =	swait.ge [sflag:s22], s20  }
0x9f: {  	s3 =	ssub.s32 $0x0, s20;
	[sflag:s22] =	ssyncset.done $0x0  }
0xa0: {  	[sflag:s22] =	ssyncadd.s32 s3;
	_ =	sdelay $0x1  }
0xa1: {  	s23 =	simm.s32 $0x1B8B  }
0xa2: {  	_ =	swait.ge [sflag:s23], $0x1  }
0xa3: {  	[sflag:s23] =	ssyncset.done $0x0  }
0xa4: {  	s25 =	simm.s32 $0x1B8E;
	s24 =	sld [smem:$0x3FFE];
	[sflag:s23] =	ssyncadd.s32 $0xFFFFFFFF  }
0xa5: {  	s26 =	simm.s32 $execute0_lowered;
	[smem:$0x3FD2] =	sst s25  }
0xa6: {  	s4 =	sshll.u32 s26, $0x1;
	_ =	strace $0x80000046;
	[dreg:$0x1] =	wrdreg $0xFFFFFFFF  }
0xa7: {  	s28 =	simm.s32 $_size_execute0_lowered;
	s2 =	sadd.s32 s2, s4;
	[dreg:$0x0] =	wrdreg $0x0  }
0xa8: {  	s4 =	sshll.u32 s28, $0x1;
	[dreg:$0x2] =	wrdreg s2  }
0xa9: {  	[dreg:$0x3] =	wrdreg s4  }
0xaa: {  	[dreg:$0x4] =	wrdreg $0xC0  }
0xab: {  	_ =	task [dreg:s6], $0x5FFFF  }
0xac: {  	[dreg:$0x1] =	wrdreg $0xFFFFFFFF  }
0xad: {  	[dreg:$0x0] =	wrdreg $0x60  }
0xae: {  	[dreg:$0x2] =	wrdreg s24  }
0xaf: {  	[dreg:$0x3] =	wrdreg $0x9  }
0xb0: {  	_ =	task.clear_ibuf [dreg:s6], $0x4FFFF;
	_ =	strace $0x90000046  }
0xb1: {  	s29 =	simm.s32 $0x9;
	_ =	strace $0x80000048  }
0xb2: {  	_ =	swait.ge [sflag:s29], $0x1  }
0xb3: {  	[sflag:s29] =	ssyncadd.s32 $0xFFFFFFFF  }
0xb4: {  	_ =	strace $0x90000048  }
0xb5: {  	_ =	sfence  }
0xb6: {  	s30 =	sld [smem:$0x0];
	_ =	sdelay $0x2  }
0xb7: {  	s31 =	sshll.u32 s1, $0xD;
	s1 =	sshrl.u32 s1, $0x2  }
0xb8: {  	s3 =	sand.u32 $0x4000, s31;
	s1 =	sadd.s32 s1, s30  }
0xb9: {  	s0 =	sor.u32 s3, s0;
	s1 =	sshll.u32 s1, $0x11  }
0xba: {  	s0 =	sor.u32 s1, s0  }
0xbb: {  	s0 =	sadd.s32 $0x8F2B, s0  }
0xbc: {  	[sflag:s0] =	ssyncadd.remote.s32 $0x1  }
0xbd: {  	_ =	sfence.sel $0xFFFF  }
0xbe: {  	[dreg:$0x0] =	wrdreg $0xFFFFFFFF;
	(pc) =	sbr.abs _section_cstart, $3  }
0xbf: {  	[dreg:$0x1] =	wrdreg $0xFFFFFFFF  }
0xc0: {  	_ =	task.clear_ibuf [dreg:s6], $0x2FFFF;
	_ =	strace $0x9FFFFFFF  }
0xc1: {  	(tm) =	ssettm $0x7FFFFFFF  }
tec
execute0_lowered:
.L_overlay_start_1:
0x0: {  	(tag) =	ssettag $0x1  }
0x1: {  	s0 =	srdreg.scid;
	s9 =	stileid.u32  }
0x2: {  	s1 =	rddreg [dreg:$0x0];
	s2 =	simm.s32 $0x0;
	s11 =	simm.s32 $0x3  }
0x3: {  	s10 =	simm.s32 $0x600;
	s18 =	simm.s32 $0xE00;
	s31 =	simm.s32 $0x1600  }
0x4: {  	s20 =	simm.s32 $0x1E00;
	s21 =	simm.s32 $0x2200;
	s22 =	simm.s32 $0x2A00  }
0x5: {  	s23 =	simm.s32 $0x3200;
	s28 =	simm.s32 $0x4E00;
	s29 =	simm.s32 $0x5600  }
0x6: {  	s12 =	simm.s32 $0x7E00;
	s30 =	simm.s32 $0x8600;
	s19 =	simm.s32 $0xAE00  }
0x7: {  	s13 =	simm.s32 $0x1;
	s14 =	simm.s32 $0x1C00;
	s15 =	simm.s32 $0x2000  }
0x8: {  	s16 =	simm.s32 $0x2;
	s17 =	simm.s32 $0x0;
	s0 =	sand.u32 $0x1, s0  }
0x9: {  	s3 =	sshll.u32 s9, $0x1;
	[smem:$0x7FF] =	sst s2;
	s7 =	sadd.s32 $0x22600, s1  }
0xa: {  	s9 =	smul.u32 $0x70000, s9;
	s4 =	sor.u32 s0, s3;
	_ =	strace $0x80000047  }
0xb: {  	s3 =	sadd.s32 $0x3000, s1;
	s6 =	ssub.s32 $0x2, s0;
	s0 =	smul.u32 $0x38000, s0  }
0xc: {  	[dreg:$0x7] =	wrdreg s17;
	s5 =	smul.u32 $0xC0, s4;
	s8 =	sshrl.u32 s6, $0x1  }
0xd: {  	s4 =	smul.u32 $0x1C0000, s4;
	s9 =	sadd.s32 s9, s7;
	s8 =	ssub.s32 s6, s8  }
0xe: {  	s6 =	sadd.s32 $0x3200, s1;
	s0 =	sadd.s32 s0, s9;
	s9 =	simm.s32 $0x7600  }
0xf: {  	s5 =	sadd.s32 s5, s1;
	s4 =	sshrl.u32 s4, $0x3;
	s26 =	smax.u32 s8, $0x1  }
0x10: {  	[dreg:$0x2] =	wrdreg s0;
	s0 =	simm.s32 $0x6200;
	s8 =	simm.s32 $0x7200  }
0x11: {  	s5 =	sadd.s32 $0x1800, s5;
	s4 =	sadd.s32 s7, s4;
	[dreg:$0x6] =	wrdreg s26  }
0x12: {  	s7 =	sadd.s32 $0x3300, s1;
	s26 =	simm.s32 $0x4600;
	[dreg:$0x3] =	wrdreg s5  }
0x13: {  	v2 =	vlaneseq.u32;
	s5 =	sadd.s32 $0x3100, s1;
	s24 =	sadd.s32 $0x34800, s4;
	s25 =	sadd.s32 $0x36400, s4  }
0x14: {  	vm0 =	vmmov $0xffff;
	vm1 =	vmmov $0xff;
	v1 =	vshrl.u32 v2, $0x3;
	s1 =	simm.s32 $0x5A00;
	s4 =	simm.s32 $0x6A00;
	[dreg:$0x4] =	wrdreg s24  }
0x15: {  	v0 =	vand.u32 $0x7, v2;
	v2 =	vor.u32 $0x8, v2;
	v1 =	vmul.u32 $0x8, v1;
	[dreg:$0x5] =	wrdreg s25;
	s24 =	simm.s32 $0x3A00;
	s25 =	simm.s32 $0x3E00  }
.LBB2_1:
0x16: {  	s17 =	rddreg [dreg:$0x3]  }
0x17: {  	[tilespmem:s2], [sflag:$0x3] =	stream.linear.gather [hbm4b:s17+s2], $0x600, $0x38;
	[tilespmem:$0x15600] =	vst v63  }
0x18: {  	_ =	swait.ge [sflag:s11], $0x600  }
0x19: {  	[sflag:s11] =	ssyncset.done $0x0  }
0x1a: {  	[sflag:s11] =	ssyncadd.s32 $0xFFFFFA00  }
0x1b: {  	v3 =	vld [tilespmem:$0x0];
	_ =	sdelay $0x4  }
0x1c: {  	v4 =	vshrl.u32 v3, $0x3  }
0x1d: {  	v4 =	vmul.u32 $0x38, v4  }
0x1e: {  	v3 =	vand.u32 $0x7, v3  }
0x1f: {  	v3 =	vor.u32 v3, v4  }
0x20: {  	v4 =	vperm.xlane v3, v0;
	_ =	sdelay $0x1  }
0x21: {  	v4 =	vadd.s32 v1, v4;
	_ =	sdelay $0x4  }
0x22: {  	[tilespmem:s10], [sflag:$0x1] =	stream.indirect_vreg.gather [hbm4b:s3+s2], $0x80, v4, vm0, $0xb8;
	[tilespmem:$0x15600] =	vst v63  }
0x23: {  	v3 =	vperm.xlane v3, v2  }
0x24: {  	[tilespmem:s18], [sflag:$0x1] =	stream.indirect_vreg.gather [hbm4b:s5+s2], $0x80, v4, vm0, $0xb8;
	[tilespmem:$0x15600] =	vst v63  }
0x25: {  	v3 =	vadd.s32 v1, v3  }
0x26: {  	[tilespmem:s31], [sflag:$0x1] =	stream.indirect_vreg.gather [hbm4b:s6+s2], $0x80, v4, vm0, $0xb8;
	[tilespmem:$0x15600] =	vst v63  }
0x27: {  	_ = 	snop  }
0x28: {  	[tilespmem:s20], [sflag:$0x1] =	stream.indirect_vreg.gather [hbm4b:s7+s2], $0x80, v4, vm1, $0xb8;
	[tilespmem:$0x15600] =	vst v63  }
0x29: {  	_ = 	snop  }
0x2a: {  	[tilespmem:s21], [sflag:$0x1] =	stream.indirect_vreg.gather [hbm4b:s3+s2], $0x80, v3, vm0, $0xb8;
	[tilespmem:$0x15600] =	vst v63  }
0x2b: {  	_ = 	snop  }
0x2c: {  	[tilespmem:s22], [sflag:$0x1] =	stream.indirect_vreg.gather [hbm4b:s5+s2], $0x80, v3, vm0, $0xb8;
	[tilespmem:$0x15600] =	vst v63  }
0x2d: {  	_ = 	snop  }
0x2e: {  	[tilespmem:s23], [sflag:$0x1] =	stream.indirect_vreg.gather [hbm4b:s6+s2], $0x80, v3, vm0, $0xb8;
	[tilespmem:$0x15600] =	vst v63  }
0x2f: {  	_ = 	snop  }
0x30: {  	[tilespmem:s24], [sflag:$0x1] =	stream.indirect_vreg.gather [hbm4b:s7+s2], $0x80, v3, vm1, $0xb8;
	[tilespmem:$0x15600] =	vst v63  }
0x31: {  	v3 =	vld [tilespmem:$0x10];
	_ =	sdelay $0x4  }
0x32: {  	v59 =	vshrl.u32 v3, $0x3  }
0x33: {  	v4 =	vmul.u32 $0x38, v59  }
0x34: {  	v3 =	vand.u32 $0x7, v3  }
0x35: {  	v3 =	vor.u32 v3, v4  }
0x36: {  	v4 =	vperm.xlane v3, v0;
	_ =	sdelay $0x1  }
0x37: {  	v4 =	vadd.s32 v1, v4;
	_ =	sdelay $0x4  }
0x38: {  	[tilespmem:s25], [sflag:$0x1] =	stream.indirect_vreg.gather [hbm4b:s3+s2], $0x80, v4, vm0, $0xb8;
	[tilespmem:$0x15600] =	vst v63  }
0x39: {  	v3 =	vperm.xlane v3, v2  }
0x3a: {  	[tilespmem:s26], [sflag:$0x1] =	stream.indirect_vreg.gather [hbm4b:s5+s2], $0x80, v4, vm0, $0xb8;
	[tilespmem:$0x15600] =	vst v63  }
0x3b: {  	v3 =	vadd.s32 v1, v3  }
0x3c: {  	[tilespmem:s28], [sflag:$0x1] =	stream.indirect_vreg.gather [hbm4b:s6+s2], $0x80, v4, vm0, $0xb8;
	[tilespmem:$0x15600] =	vst v63  }
0x3d: {  	_ = 	snop  }
0x3e: {  	[tilespmem:s29], [sflag:$0x1] =	stream.indirect_vreg.gather [hbm4b:s7+s2], $0x80, v4, vm1, $0xb8;
	[tilespmem:$0x15600] =	vst v63  }
0x3f: {  	_ = 	snop  }
0x40: {  	[tilespmem:s1], [sflag:$0x1] =	stream.indirect_vreg.gather [hbm4b:s3+s2], $0x80, v3, vm0, $0xb8;
	[tilespmem:$0x15600] =	vst v63  }
0x41: {  	_ = 	snop  }
0x42: {  	[tilespmem:s0], [sflag:$0x1] =	stream.indirect_vreg.gather [hbm4b:s5+s2], $0x80, v3, vm0, $0xb8;
	[tilespmem:$0x15600] =	vst v63  }
0x43: {  	_ = 	snop  }
0x44: {  	[tilespmem:s4], [sflag:$0x1] =	stream.indirect_vreg.gather [hbm4b:s6+s2], $0x80, v3, vm0, $0xb8;
	[tilespmem:$0x15600] =	vst v63  }
0x45: {  	_ = 	snop  }
0x46: {  	[tilespmem:s8], [sflag:$0x1] =	stream.indirect_vreg.gather [hbm4b:s7+s2], $0x80, v3, vm1, $0xb8;
	[tilespmem:$0x15600] =	vst v63  }
0x47: {  	v3 =	vld [tilespmem:$0x20];
	_ =	sdelay $0x4  }
0x48: {  	v60 =	vshrl.u32 v3, $0x3  }
0x49: {  	v4 =	vmul.u32 $0x38, v60  }
0x4a: {  	v3 =	vand.u32 $0x7, v3  }
0x4b: {  	v3 =	vor.u32 v3, v4  }
0x4c: {  	v4 =	vperm.xlane v3, v0;
	_ =	sdelay $0x1  }
0x4d: {  	v4 =	vadd.s32 v1, v4;
	_ =	sdelay $0x4  }
0x4e: {  	[tilespmem:s9], [sflag:$0x1] =	stream.indirect_vreg.gather [hbm4b:s3+s2], $0x80, v4, vm0, $0xb8;
	[tilespmem:$0x15600] =	vst v63  }
0x4f: {  	v3 =	vperm.xlane v3, v2  }
0x50: {  	[tilespmem:s12], [sflag:$0x1] =	stream.indirect_vreg.gather [hbm4b:s5+s2], $0x80, v4, vm0, $0xb8;
	[tilespmem:$0x15600] =	vst v63  }
0x51: {  	v3 =	vadd.s32 v1, v3  }
0x52: {  	[tilespmem:s30], [sflag:$0x1] =	stream.indirect_vreg.gather [hbm4b:s6+s2], $0x80, v4, vm0, $0xb8;
	[tilespmem:$0x15600] =	vst v63  }
0x53: {  	s17 =	simm.s32 $0x8E00  }
0x54: {  	[tilespmem:s17], [sflag:$0x1] =	stream.indirect_vreg.gather [hbm4b:s7+s2], $0x80, v4, vm1, $0xb8;
	[tilespmem:$0x15600] =	vst v63  }
0x55: {  	s18 =	simm.s32 $0x9200  }
0x56: {  	[tilespmem:s18], [sflag:$0x1] =	stream.indirect_vreg.gather [hbm4b:s3+s2], $0x80, v3, vm0, $0xb8;
	[tilespmem:$0x15600] =	vst v63  }
0x57: {  	s20 =	simm.s32 $0x9A00  }
0x58: {  	[tilespmem:s20], [sflag:$0x1] =	stream.indirect_vreg.gather [hbm4b:s5+s2], $0x80, v3, vm0, $0xb8;
	[tilespmem:$0x15600] =	vst v63  }
0x59: {  	s21 =	simm.s32 $0xA200  }
0x5a: {  	[tilespmem:s21], [sflag:$0x1] =	stream.indirect_vreg.gather [hbm4b:s6+s2], $0x80, v3, vm0, $0xb8;
	[tilespmem:$0x15600] =	vst v63  }
0x5b: {  	s22 =	simm.s32 $0xAA00  }
0x5c: {  	[tilespmem:s22], [sflag:$0x1] =	stream.indirect_vreg.gather [hbm4b:s7+s2], $0x80, v3, vm1, $0xb8;
	[tilespmem:$0x15600] =	vst v63  }
0x5d: {  	v3 =	vld [tilespmem:$0x30];
	_ =	sdelay $0x4  }
0x5e: {  	v61 =	vshrl.u32 v3, $0x3  }
0x5f: {  	v4 =	vmul.u32 $0x38, v61  }
0x60: {  	v3 =	vand.u32 $0x7, v3  }
0x61: {  	v3 =	vor.u32 v3, v4  }
0x62: {  	v4 =	vperm.xlane v3, v0;
	_ =	sdelay $0x1  }
0x63: {  	v4 =	vadd.s32 v1, v4;
	_ =	sdelay $0x4  }
0x64: {  	[tilespmem:s19], [sflag:$0x2] =	stream.indirect_vreg.gather [hbm4b:s3+s2], $0x80, v4, vm0, $0xb8;
	[tilespmem:$0x15600] =	vst v63  }
0x65: {  	s23 =	simm.s32 $0xB600;
	v3 =	vperm.xlane v3, v2  }
0x66: {  	[tilespmem:s23], [sflag:$0x2] =	stream.indirect_vreg.gather [hbm4b:s5+s2], $0x80, v4, vm0, $0xb8;
	[tilespmem:$0x15600] =	vst v63  }
0x67: {  	s24 =	simm.s32 $0xBE00;
	v3 =	vadd.s32 v1, v3  }
0x68: {  	[tilespmem:s24], [sflag:$0x2] =	stream.indirect_vreg.gather [hbm4b:s6+s2], $0x80, v4, vm0, $0xb8;
	[tilespmem:$0x15600] =	vst v63  }
0x69: {  	s25 =	simm.s32 $0xC600  }
0x6a: {  	[tilespmem:s25], [sflag:$0x2] =	stream.indirect_vreg.gather [hbm4b:s7+s2], $0x80, v4, vm1, $0xb8;
	[tilespmem:$0x15600] =	vst v63  }
0x6b: {  	s26 =	simm.s32 $0xCA00  }
0x6c: {  	[tilespmem:s26], [sflag:$0x2] =	stream.indirect_vreg.gather [hbm4b:s3+s2], $0x80, v3, vm0, $0xb8;
	[tilespmem:$0x15600] =	vst v63  }
0x6d: {  	s1 =	simm.s32 $0xD200  }
0x6e: {  	[tilespmem:s1], [sflag:$0x2] =	stream.indirect_vreg.gather [hbm4b:s5+s2], $0x80, v3, vm0, $0xb8;
	[tilespmem:$0x15600] =	vst v63  }
0x6f: {  	s4 =	simm.s32 $0xDA00  }
0x70: {  	[tilespmem:s4], [sflag:$0x2] =	stream.indirect_vreg.gather [hbm4b:s6+s2], $0x80, v3, vm0, $0xb8;
	[tilespmem:$0x15600] =	vst v63  }
0x71: {  	s8 =	simm.s32 $0xE200  }
0x72: {  	[tilespmem:s8], [sflag:$0x2] =	stream.indirect_vreg.gather [hbm4b:s7+s2], $0x80, v3, vm1, $0xb8;
	[tilespmem:$0x15600] =	vst v63  }
0x73: {  	v3 =	vld [tilespmem:$0x40];
	_ =	sdelay $0x4  }
0x74: {  	v62 =	vshrl.u32 v3, $0x3  }
0x75: {  	v4 =	vmul.u32 $0x38, v62  }
0x76: {  	v3 =	vand.u32 $0x7, v3  }
0x77: {  	v3 =	vor.u32 v3, v4  }
0x78: {  	v4 =	vperm.xlane v3, v0;
	_ =	sdelay $0x1  }
0x79: {  	v4 =	vadd.s32 v1, v4;
	_ =	sdelay $0x3  }
0x7a: {  	s9 =	simm.s32 $0xE600  }
0x7b: {  	[tilespmem:s9], [sflag:$0x2] =	stream.indirect_vreg.gather [hbm4b:s3+s2], $0x80, v4, vm0, $0xb8;
	[tilespmem:$0x15600] =	vst v63  }
0x7c: {  	s10 =	simm.s32 $0xEE00;
	v3 =	vperm.xlane v3, v2  }
0x7d: {  	[tilespmem:s10], [sflag:$0x2] =	stream.indirect_vreg.gather [hbm4b:s5+s2], $0x80, v4, vm0, $0xb8;
	[tilespmem:$0x15600] =	vst v63  }
0x7e: {  	s12 =	simm.s32 $0xF600;
	v3 =	vadd.s32 v1, v3  }
0x7f: {  	[tilespmem:s12], [sflag:$0x2] =	stream.indirect_vreg.gather [hbm4b:s6+s2], $0x80, v4, vm0, $0xb8;
	[tilespmem:$0x15600] =	vst v63  }
0x80: {  	s17 =	simm.s32 $0xFE00  }
0x81: {  	[tilespmem:s17], [sflag:$0x2] =	stream.indirect_vreg.gather [hbm4b:s7+s2], $0x80, v4, vm1, $0xb8;
	[tilespmem:$0x15600] =	vst v63  }
0x82: {  	s18 =	simm.s32 $0x10200  }
0x83: {  	[tilespmem:s18], [sflag:$0x2] =	stream.indirect_vreg.gather [hbm4b:s3+s2], $0x80, v3, vm0, $0xb8;
	[tilespmem:$0x15600] =	vst v63  }
0x84: {  	s19 =	simm.s32 $0x10A00  }
0x85: {  	[tilespmem:s19], [sflag:$0x2] =	stream.indirect_vreg.gather [hbm4b:s5+s2], $0x80, v3, vm0, $0xb8;
	[tilespmem:$0x15600] =	vst v63  }
0x86: {  	s20 =	simm.s32 $0x11200  }
0x87: {  	[tilespmem:s20], [sflag:$0x2] =	stream.indirect_vreg.gather [hbm4b:s6+s2], $0x80, v3, vm0, $0xb8;
	[tilespmem:$0x15600] =	vst v63  }
0x88: {  	s21 =	simm.s32 $0x11A00  }
0x89: {  	[tilespmem:s21], [sflag:$0x2] =	stream.indirect_vreg.gather [hbm4b:s7+s2], $0x80, v3, vm1, $0xb8;
	[tilespmem:$0x15600] =	vst v63  }
0x8a: {  	v3 =	vld [tilespmem:$0x50];
	_ =	sdelay $0x4  }
0x8b: {  	v63 =	vshrl.u32 v3, $0x3  }
0x8c: {  	v4 =	vmul.u32 $0x38, v63  }
0x8d: {  	v3 =	vand.u32 $0x7, v3  }
0x8e: {  	v3 =	vor.u32 v3, v4  }
0x8f: {  	v4 =	vperm.xlane v3, v0;
	_ =	sdelay $0x1  }
0x90: {  	v4 =	vadd.s32 v1, v4;
	_ =	sdelay $0x3  }
0x91: {  	s31 =	simm.s32 $0x8E00;
	s22 =	simm.s32 $0x11E00  }
0x92: {  	[tilespmem:s22], [sflag:$0x2] =	stream.indirect_vreg.gather [hbm4b:s3+s2], $0x80, v4, vm0, $0xb8;
	[tilespmem:$0x15600] =	vst v63  }
0x93: {  	s28 =	simm.s32 $0x3E00;
	s29 =	simm.s32 $0x15200;
	s23 =	simm.s32 $0x12600;
	v3 =	vperm.xlane v3, v2  }
0x94: {  	[tilespmem:s23], [sflag:$0x2] =	stream.indirect_vreg.gather [hbm4b:s5+s2], $0x80, v4, vm0, $0xb8;
	[tilespmem:$0x15600] =	vst v63  }
0x95: {  	s0 =	simm.s32 $0x6200;
	s30 =	simm.s32 $0x4E00;
	s24 =	simm.s32 $0x12E00;
	v3 =	vadd.s32 v1, v3  }
0x96: {  	[tilespmem:s24], [sflag:$0x2] =	stream.indirect_vreg.gather [hbm4b:s6+s2], $0x80, v4, vm0, $0xb8;
	[tilespmem:$0x15600] =	vst v63  }
0x97: {  	s25 =	simm.s32 $0x13600;
	s26 =	simm.s32 $0x13A00;
	s1 =	simm.s32 $0x5A00  }
0x98: {  	[tilespmem:s25], [sflag:$0x2] =	stream.indirect_vreg.gather [hbm4b:s7+s2], $0x80, v4, vm1, $0xb8;
	[tilespmem:$0x15600] =	vst v63  }
0x99: {  	s4 =	simm.s32 $0x6A00;
	s8 =	simm.s32 $0x7200;
	s9 =	simm.s32 $0x7600  }
0x9a: {  	[tilespmem:s26], [sflag:$0x2] =	stream.indirect_vreg.gather [hbm4b:s3+s2], $0x80, v3, vm0, $0xb8;
	[tilespmem:$0x15600] =	vst v63  }
0x9b: {  	s12 =	simm.s32 $0x7E00;
	s17 =	simm.s32 $0xB0;
	s20 =	simm.s32 $0x14200  }
0x9c: {  	[tilespmem:s20], [sflag:$0x2] =	stream.indirect_vreg.gather [hbm4b:s5+s2], $0x80, v3, vm0, $0xb8;
	[tilespmem:$0x15600] =	vst v63  }
0x9d: {  	s18 =	simm.s32 $0x0;
	s21 =	simm.s32 $0x1600;
	s24 =	simm.s32 $0x14A00  }
0x9e: {  	[tilespmem:s24], [sflag:$0x2] =	stream.indirect_vreg.gather [hbm4b:s6+s2], $0x80, v3, vm0, $0xb8;
	[tilespmem:$0x15600] =	vst v63  }
0x9f: {  	s23 =	simm.s32 $0x2200;
	s25 =	simm.s32 $0x3200;
	s26 =	simm.s32 $0x8600  }
0xa0: {  	[tilespmem:s29], [sflag:$0x2] =	stream.indirect_vreg.gather [hbm4b:s7+s2], $0x80, v3, vm1, $0xb8;
	[tilespmem:$0x15600] =	vst v63  }
.LBB2_2:
0xa1: {  	_ =	swait.ge [sflag:s13], $0xA800  }
0xa2: {  	s19 =	rddreg [dreg:$0x2];
	[sflag:s13] =	ssyncset.done $0x0  }
0xa3: {  	s22 =	simm.s32 $0x600;
	[sflag:s13] =	ssyncadd.s32 $0xFFFF5800;
	s19 =	sadd.s32 s18, s19  }
0xa4: {  	[hbm4b:s19+s14] =	stream.strided.scatter [tilespmem:s22], [sflag:$0x3], $0xA800, s15, s14, $0x38;
	[tilespmem:$0x15600] =	vst v63  }
0xa5: {  	_ =	swait.ge [sflag:s11], $0xA800  }
0xa6: {  	[sflag:s11] =	ssyncset.done $0x0  }
0xa7: {  	[sflag:s11] =	ssyncadd.s32 $0xFFFF5800  }
0xa8: {  	v3 =	vld [tilespmem:s17+$0xFFFFFFB0];
	_ =	sdelay $0x4  }
0xa9: {  	v4 =	vshrl.u32 v3, $0x3  }
0xaa: {  	v4 =	vmul.u32 $0x38, v4  }
0xab: {  	v3 =	vand.u32 $0x7, v3  }
0xac: {  	v3 =	vor.u32 v3, v4  }
0xad: {  	v4 =	vperm.xlane v3, v0;
	_ =	sdelay $0x1  }
0xae: {  	v4 =	vadd.s32 v1, v4;
	_ =	sdelay $0x4  }
0xaf: {  	[tilespmem:s22], [sflag:$0x1] =	stream.indirect_vreg.gather [hbm4b:s3+s2], $0x80, v4, vm0, $0xb8;
	[tilespmem:$0x15600] =	vst v63  }
0xb0: {  	v3 =	vperm.xlane v3, v2;
	s22 =	simm.s32 $0xE00  }
0xb1: {  	[tilespmem:s22], [sflag:$0x1] =	stream.indirect_vreg.gather [hbm4b:s5+s2], $0x80, v4, vm0, $0xb8;
	[tilespmem:$0x15600] =	vst v63  }
0xb2: {  	v3 =	vadd.s32 v1, v3  }
0xb3: {  	[tilespmem:s21], [sflag:$0x1] =	stream.indirect_vreg.gather [hbm4b:s6+s2], $0x80, v4, vm0, $0xb8;
	[tilespmem:$0x15600] =	vst v63  }
0xb4: {  	s22 =	simm.s32 $0x1E00  }
0xb5: {  	[tilespmem:s22], [sflag:$0x1] =	stream.indirect_vreg.gather [hbm4b:s7+s2], $0x80, v4, vm1, $0xb8;
	[tilespmem:$0x15600] =	vst v63  }
0xb6: {  	_ = 	snop  }
0xb7: {  	[tilespmem:s23], [sflag:$0x1] =	stream.indirect_vreg.gather [hbm4b:s3+s2], $0x80, v3, vm0, $0xb8;
	[tilespmem:$0x15600] =	vst v63  }
0xb8: {  	s22 =	simm.s32 $0x2A00  }
0xb9: {  	[tilespmem:s22], [sflag:$0x1] =	stream.indirect_vreg.gather [hbm4b:s5+s2], $0x80, v3, vm0, $0xb8;
	[tilespmem:$0x15600] =	vst v63  }
0xba: {  	_ = 	snop  }
0xbb: {  	[tilespmem:s25], [sflag:$0x1] =	stream.indirect_vreg.gather [hbm4b:s6+s2], $0x80, v3, vm0, $0xb8;
	[tilespmem:$0x15600] =	vst v63  }
0xbc: {  	s22 =	simm.s32 $0x3A00  }
0xbd: {  	[tilespmem:s22], [sflag:$0x1] =	stream.indirect_vreg.gather [hbm4b:s7+s2], $0x80, v3, vm1, $0xb8;
	[tilespmem:$0x15600] =	vst v63  }
0xbe: {  	v3 =	vld [tilespmem:s17+$0xFFFFFFC0];
	_ =	sdelay $0x4  }
0xbf: {  	v59 =	vshrl.u32 v3, $0x3  }
0xc0: {  	v4 =	vmul.u32 $0x38, v59  }
0xc1: {  	v3 =	vand.u32 $0x7, v3  }
0xc2: {  	v3 =	vor.u32 v3, v4  }
0xc3: {  	v4 =	vperm.xlane v3, v0;
	_ =	sdelay $0x1  }
0xc4: {  	v4 =	vadd.s32 v1, v4;
	_ =	sdelay $0x4  }
0xc5: {  	[tilespmem:s28], [sflag:$0x1] =	stream.indirect_vreg.gather [hbm4b:s3+s2], $0x80, v4, vm0, $0xb8;
	[tilespmem:$0x15600] =	vst v63  }
0xc6: {  	s22 =	simm.s32 $0x4600;
	v3 =	vperm.xlane v3, v2  }
0xc7: {  	[tilespmem:s22], [sflag:$0x1] =	stream.indirect_vreg.gather [hbm4b:s5+s2], $0x80, v4, vm0, $0xb8;
	[tilespmem:$0x15600] =	vst v63  }
0xc8: {  	v3 =	vadd.s32 v1, v3  }
0xc9: {  	[tilespmem:s30], [sflag:$0x1] =	stream.indirect_vreg.gather [hbm4b:s6+s2], $0x80, v4, vm0, $0xb8;
	[tilespmem:$0x15600] =	vst v63  }
0xca: {  	s22 =	simm.s32 $0x5600  }
0xcb: {  	[tilespmem:s22], [sflag:$0x1] =	stream.indirect_vreg.gather [hbm4b:s7+s2], $0x80, v4, vm1, $0xb8;
	[tilespmem:$0x15600] =	vst v63  }
0xcc: {  	_ = 	snop  }
0xcd: {  	[tilespmem:s1], [sflag:$0x1] =	stream.indirect_vreg.gather [hbm4b:s3+s2], $0x80, v3, vm0, $0xb8;
	[tilespmem:$0x15600] =	vst v63  }
0xce: {  	_ = 	snop  }
0xcf: {  	[tilespmem:s0], [sflag:$0x1] =	stream.indirect_vreg.gather [hbm4b:s5+s2], $0x80, v3, vm0, $0xb8;
	[tilespmem:$0x15600] =	vst v63  }
0xd0: {  	_ = 	snop  }
0xd1: {  	[tilespmem:s4], [sflag:$0x1] =	stream.indirect_vreg.gather [hbm4b:s6+s2], $0x80, v3, vm0, $0xb8;
	[tilespmem:$0x15600] =	vst v63  }
0xd2: {  	_ = 	snop  }
0xd3: {  	[tilespmem:s8], [sflag:$0x1] =	stream.indirect_vreg.gather [hbm4b:s7+s2], $0x80, v3, vm1, $0xb8;
	[tilespmem:$0x15600] =	vst v63  }
0xd4: {  	v3 =	vld [tilespmem:s17+$0xFFFFFFD0];
	_ =	sdelay $0x4  }
0xd5: {  	v60 =	vshrl.u32 v3, $0x3  }
0xd6: {  	v4 =	vmul.u32 $0x38, v60  }
0xd7: {  	v3 =	vand.u32 $0x7, v3  }
0xd8: {  	v3 =	vor.u32 v3, v4  }
0xd9: {  	v4 =	vperm.xlane v3, v0;
	_ =	sdelay $0x1  }
0xda: {  	v4 =	vadd.s32 v1, v4;
	_ =	sdelay $0x4  }
0xdb: {  	[tilespmem:s9], [sflag:$0x1] =	stream.indirect_vreg.gather [hbm4b:s3+s2], $0x80, v4, vm0, $0xb8;
	[tilespmem:$0x15600] =	vst v63  }
0xdc: {  	v3 =	vperm.xlane v3, v2  }
0xdd: {  	[tilespmem:s12], [sflag:$0x1] =	stream.indirect_vreg.gather [hbm4b:s5+s2], $0x80, v4, vm0, $0xb8;
	[tilespmem:$0x15600] =	vst v63  }
0xde: {  	v3 =	vadd.s32 v1, v3  }
0xdf: {  	[tilespmem:s26], [sflag:$0x1] =	stream.indirect_vreg.gather [hbm4b:s6+s2], $0x80, v4, vm0, $0xb8;
	[tilespmem:$0x15600] =	vst v63  }
0xe0: {  	_ = 	snop  }
0xe1: {  	[tilespmem:s31], [sflag:$0x1] =	stream.indirect_vreg.gather [hbm4b:s7+s2], $0x80, v4, vm1, $0xb8;
	[tilespmem:$0x15600] =	vst v63  }
0xe2: {  	s22 =	simm.s32 $0x9200  }
0xe3: {  	[tilespmem:s22], [sflag:$0x1] =	stream.indirect_vreg.gather [hbm4b:s3+s2], $0x80, v3, vm0, $0xb8;
	[tilespmem:$0x15600] =	vst v63  }
0xe4: {  	s22 =	simm.s32 $0x9A00  }
0xe5: {  	[tilespmem:s22], [sflag:$0x1] =	stream.indirect_vreg.gather [hbm4b:s5+s2], $0x80, v3, vm0, $0xb8;
	[tilespmem:$0x15600] =	vst v63  }
0xe6: {  	s22 =	simm.s32 $0xA200  }
0xe7: {  	[tilespmem:s22], [sflag:$0x1] =	stream.indirect_vreg.gather [hbm4b:s6+s2], $0x80, v3, vm0, $0xb8;
	[tilespmem:$0x15600] =	vst v63  }
0xe8: {  	s22 =	simm.s32 $0xAA00  }
0xe9: {  	[tilespmem:s22], [sflag:$0x1] =	stream.indirect_vreg.gather [hbm4b:s7+s2], $0x80, v3, vm1, $0xb8;
	[tilespmem:$0x15600] =	vst v63  }
0xea: {  	_ =	swait.ge [sflag:s16], $0xA800  }
0xeb: {  	[sflag:s16] =	ssyncset.done $0x0  }
0xec: {  	s19 =	sadd.s32 $0x1C00, s19;
	s22 =	simm.s32 $0xAE00;
	[sflag:s16] =	ssyncadd.s32 $0xFFFF5800  }
0xed: {  	[hbm4b:s19+s14] =	stream.strided.scatter [tilespmem:s22], [sflag:$0x3], $0xA800, s15, s14, $0x38;
	[tilespmem:$0x15600] =	vst v63  }
0xee: {  	_ =	swait.ge [sflag:s11], $0xA800  }
0xef: {  	[sflag:s11] =	ssyncset.done $0x0  }
0xf0: {  	[sflag:s11] =	ssyncadd.s32 $0xFFFF5800  }
0xf1: {  	v3 =	vld [tilespmem:s17+$0xFFFFFFE0];
	_ =	sdelay $0x4  }
0xf2: {  	v61 =	vshrl.u32 v3, $0x3  }
0xf3: {  	v4 =	vmul.u32 $0x38, v61  }
0xf4: {  	v3 =	vand.u32 $0x7, v3  }
0xf5: {  	v3 =	vor.u32 v3, v4  }
0xf6: {  	v4 =	vperm.xlane v3, v0;
	_ =	sdelay $0x1  }
0xf7: {  	v4 =	vadd.s32 v1, v4;
	_ =	sdelay $0x4  }
0xf8: {  	[tilespmem:s22], [sflag:$0x2] =	stream.indirect_vreg.gather [hbm4b:s3+s2], $0x80, v4, vm0, $0xb8;
	[tilespmem:$0x15600] =	vst v63  }
0xf9: {  	v3 =	vperm.xlane v3, v2;
	s22 =	simm.s32 $0xB600  }
0xfa: {  	[tilespmem:s22], [sflag:$0x2] =	stream.indirect_vreg.gather [hbm4b:s5+s2], $0x80, v4, vm0, $0xb8;
	[tilespmem:$0x15600] =	vst v63  }
0xfb: {  	v3 =	vadd.s32 v1, v3;
	s22 =	simm.s32 $0xBE00  }
0xfc: {  	[tilespmem:s22], [sflag:$0x2] =	stream.indirect_vreg.gather [hbm4b:s6+s2], $0x80, v4, vm0, $0xb8;
	[tilespmem:$0x15600] =	vst v63  }
0xfd: {  	s22 =	simm.s32 $0xC600  }
0xfe: {  	[tilespmem:s22], [sflag:$0x2] =	stream.indirect_vreg.gather [hbm4b:s7+s2], $0x80, v4, vm1, $0xb8;
	[tilespmem:$0x15600] =	vst v63  }
0xff: {  	s22 =	simm.s32 $0xCA00  }
0x100: {  	[tilespmem:s22], [sflag:$0x2] =	stream.indirect_vreg.gather [hbm4b:s3+s2], $0x80, v3, vm0, $0xb8;
	[tilespmem:$0x15600] =	vst v63  }
0x101: {  	s22 =	simm.s32 $0xD200  }
0x102: {  	[tilespmem:s22], [sflag:$0x2] =	stream.indirect_vreg.gather [hbm4b:s5+s2], $0x80, v3, vm0, $0xb8;
	[tilespmem:$0x15600] =	vst v63  }
0x103: {  	s22 =	simm.s32 $0xDA00  }
0x104: {  	[tilespmem:s22], [sflag:$0x2] =	stream.indirect_vreg.gather [hbm4b:s6+s2], $0x80, v3, vm0, $0xb8;
	[tilespmem:$0x15600] =	vst v63  }
0x105: {  	s22 =	simm.s32 $0xE200  }
0x106: {  	[tilespmem:s22], [sflag:$0x2] =	stream.indirect_vreg.gather [hbm4b:s7+s2], $0x80, v3, vm1, $0xb8;
	[tilespmem:$0x15600] =	vst v63  }
0x107: {  	v3 =	vld [tilespmem:s17+$0xFFFFFFF0];
	_ =	sdelay $0x4  }
0x108: {  	v62 =	vshrl.u32 v3, $0x3  }
0x109: {  	v4 =	vmul.u32 $0x38, v62  }
0x10a: {  	v3 =	vand.u32 $0x7, v3  }
0x10b: {  	v3 =	vor.u32 v3, v4  }
0x10c: {  	v4 =	vperm.xlane v3, v0;
	_ =	sdelay $0x1  }
0x10d: {  	v4 =	vadd.s32 v1, v4;
	_ =	sdelay $0x3  }
0x10e: {  	s22 =	simm.s32 $0xE600  }
0x10f: {  	[tilespmem:s22], [sflag:$0x2] =	stream.indirect_vreg.gather [hbm4b:s3+s2], $0x80, v4, vm0, $0xb8;
	[tilespmem:$0x15600] =	vst v63  }
0x110: {  	v3 =	vperm.xlane v3, v2;
	s22 =	simm.s32 $0xEE00  }
0x111: {  	[tilespmem:s22], [sflag:$0x2] =	stream.indirect_vreg.gather [hbm4b:s5+s2], $0x80, v4, vm0, $0xb8;
	[tilespmem:$0x15600] =	vst v63  }
0x112: {  	v3 =	vadd.s32 v1, v3;
	s22 =	simm.s32 $0xF600  }
0x113: {  	[tilespmem:s22], [sflag:$0x2] =	stream.indirect_vreg.gather [hbm4b:s6+s2], $0x80, v4, vm0, $0xb8;
	[tilespmem:$0x15600] =	vst v63  }
0x114: {  	s22 =	simm.s32 $0xFE00  }
0x115: {  	[tilespmem:s22], [sflag:$0x2] =	stream.indirect_vreg.gather [hbm4b:s7+s2], $0x80, v4, vm1, $0xb8;
	[tilespmem:$0x15600] =	vst v63  }
0x116: {  	s22 =	simm.s32 $0x10200  }
0x117: {  	[tilespmem:s22], [sflag:$0x2] =	stream.indirect_vreg.gather [hbm4b:s3+s2], $0x80, v3, vm0, $0xb8;
	[tilespmem:$0x15600] =	vst v63  }
0x118: {  	s22 =	simm.s32 $0x10A00  }
0x119: {  	[tilespmem:s22], [sflag:$0x2] =	stream.indirect_vreg.gather [hbm4b:s5+s2], $0x80, v3, vm0, $0xb8;
	[tilespmem:$0x15600] =	vst v63  }
0x11a: {  	s22 =	simm.s32 $0x11200  }
0x11b: {  	[tilespmem:s22], [sflag:$0x2] =	stream.indirect_vreg.gather [hbm4b:s6+s2], $0x80, v3, vm0, $0xb8;
	[tilespmem:$0x15600] =	vst v63  }
0x11c: {  	s22 =	simm.s32 $0x11A00  }
0x11d: {  	[tilespmem:s22], [sflag:$0x2] =	stream.indirect_vreg.gather [hbm4b:s7+s2], $0x80, v3, vm1, $0xb8;
	[tilespmem:$0x15600] =	vst v63  }
0x11e: {  	v3 =	vld [tilespmem:s17+$0x0];
	_ =	sdelay $0x4  }
0x11f: {  	v63 =	vshrl.u32 v3, $0x3  }
0x120: {  	v4 =	vmul.u32 $0x38, v63  }
0x121: {  	v3 =	vand.u32 $0x7, v3  }
0x122: {  	v3 =	vor.u32 v3, v4  }
0x123: {  	v4 =	vperm.xlane v3, v0;
	_ =	sdelay $0x1  }
0x124: {  	v4 =	vadd.s32 v1, v4;
	_ =	sdelay $0x3  }
0x125: {  	s22 =	simm.s32 $0x11E00  }
0x126: {  	[tilespmem:s22], [sflag:$0x2] =	stream.indirect_vreg.gather [hbm4b:s3+s2], $0x80, v4, vm0, $0xb8;
	[tilespmem:$0x15600] =	vst v63  }
0x127: {  	v3 =	vperm.xlane v3, v2;
	s22 =	simm.s32 $0x12600  }
0x128: {  	[tilespmem:s22], [sflag:$0x2] =	stream.indirect_vreg.gather [hbm4b:s5+s2], $0x80, v4, vm0, $0xb8;
	[tilespmem:$0x15600] =	vst v63  }
0x129: {  	v3 =	vadd.s32 v1, v3;
	s22 =	simm.s32 $0x12E00  }
0x12a: {  	[tilespmem:s22], [sflag:$0x2] =	stream.indirect_vreg.gather [hbm4b:s6+s2], $0x80, v4, vm0, $0xb8;
	[tilespmem:$0x15600] =	vst v63  }
0x12b: {  	s22 =	simm.s32 $0x13600  }
0x12c: {  	[tilespmem:s22], [sflag:$0x2] =	stream.indirect_vreg.gather [hbm4b:s7+s2], $0x80, v4, vm1, $0xb8;
	[tilespmem:$0x15600] =	vst v63  }
0x12d: {  	s22 =	simm.s32 $0x13A00  }
0x12e: {  	[tilespmem:s22], [sflag:$0x2] =	stream.indirect_vreg.gather [hbm4b:s3+s2], $0x80, v3, vm0, $0xb8;
	[tilespmem:$0x15600] =	vst v63  }
0x12f: {  	p0 =	sne.s32 s18, $0x31000  }
0x130: {  	[tilespmem:s20], [sflag:$0x2] =	stream.indirect_vreg.gather [hbm4b:s5+s2], $0x80, v3, vm0, $0xb8;
	[tilespmem:$0x15600] =	vst v63  }
.Ltmp0:
0x131: {  	_ = 	snop;
	(pc) =	sbr.rel @p0 .LBB2_2-.Ltmp0, $4  }
0x132: {  	s10 =	simm.s32 $0x600  }
0x133: {  	[tilespmem:s24], [sflag:$0x2] =	stream.indirect_vreg.gather [hbm4b:s6+s2], $0x80, v3, vm0, $0xb8;
	[tilespmem:$0x15600] =	vst v63  }
0x134: {  	s18 =	sadd.s32 $0x3800, s18;
	s19 =	simm.s32 $0xAE00;
	s17 =	sadd.s32 $0x60, s17  }
0x135: {  	[tilespmem:s29], [sflag:$0x2] =	stream.indirect_vreg.gather [hbm4b:s7+s2], $0x80, v3, vm1, $0xb8;
	[tilespmem:$0x15600] =	vst v63  }
0x136: {  	_ =	swait.ge [sflag:s13], $0xA800  }
0x137: {  	[sflag:s13] =	ssyncset.done $0x0  }
0x138: {  	s17 =	rddreg [dreg:$0x4];
	[sflag:s13] =	ssyncadd.s32 $0xFFFF5800  }
0x139: {  	[hbm4b:s17+s14] =	stream.strided.scatter [tilespmem:s10], [sflag:$0x3], $0xA800, s15, s14, $0x38;
	[tilespmem:$0x15600] =	vst v63  }
0x13a: {  	_ =	swait.ge [sflag:s11], $0xA800  }
0x13b: {  	[sflag:s11] =	ssyncset.done $0x0  }
0x13c: {  	[sflag:s11] =	ssyncadd.s32 $0xFFFF5800  }
0x13d: {  	_ =	swait.ge [sflag:s16], $0xA800  }
0x13e: {  	[sflag:s16] =	ssyncset.done $0x0  }
0x13f: {  	s25 =	rddreg [dreg:$0x5];
	[sflag:s16] =	ssyncadd.s32 $0xFFFF5800  }
0x140: {  	[hbm4b:s25+s14] =	stream.strided.scatter [tilespmem:s19], [sflag:$0x3], $0xA800, s15, s14, $0x38;
	[tilespmem:$0x15600] =	vst v63  }
0x141: {  	s18 =	simm.s32 $0xE00;
	s31 =	simm.s32 $0x1600;
	_ =	swait.ge [sflag:s11], $0xA800  }
0x142: {  	s20 =	simm.s32 $0x1E00;
	s21 =	simm.s32 $0x2200;
	s0 =	rddreg [dreg:$0x7]  }
0x143: {  	s22 =	simm.s32 $0x2A00;
	s26 =	rddreg [dreg:$0x6];
	s0 =	sadd.s32 $0x1, s0  }
0x144: {  	s23 =	simm.s32 $0x3200;
	s24 =	simm.s32 $0x3A00;
	p0 =	sne.s32 s0, s26  }
.Ltmp1:
0x145: {  	s28 =	simm.s32 $0x4E00;
	s29 =	simm.s32 $0x5600;
	(pc) =	sbr.rel @p0 .LBB2_1-.Ltmp1, $4  }
0x146: {  	s1 =	simm.s32 $0x5A00;
	s4 =	simm.s32 $0x6A00;
	s8 =	simm.s32 $0x7200  }
0x147: {  	s9 =	simm.s32 $0x7600;
	s12 =	simm.s32 $0x7E00;
	[sflag:s11] =	ssyncset.done $0x0  }
0x148: {  	s30 =	simm.s32 $0x8600;
	s25 =	simm.s32 $0x3E00;
	[sflag:s11] =	ssyncadd.s32 $0xFFFF5800  }
0x149: {  	[dreg:$0x7] =	wrdreg s0;
	s26 =	simm.s32 $0x4600;
	s0 =	simm.s32 $0x6200  }
0x14a: {  	_ =	sfence.sel $0x180000  }
0x14b: {  	[bflag:$0x0] =	sbarrier.arrive $0xFFFF  }
0x14c: {  	_ =	strace $0x90000047  }
0x14d: {  	s0 =	stileid.u32;
	[bflag:$0x2] =	sbarrier.arrive $0xFFFF  }
0x14e: {  	p0 =	sne.s32 s0, $0x0;
	s0 =	rddreg [dreg:$0x1]  }
0x14f: {  	s0 =	sadd.s32 @!p0 $0x100000, s0  }
0x150: {  	[sflag:s0] =	ssyncadd.tile.s32 @!p0 $0x1;
	_ =	shalt  }
.Lfunc_end2:
_tile_overlayer_lowered:
.L_overlay_start_2:
0x151: {  	(tag) =	ssettag $0x2  }
0x152: {  	s0 =	rddreg [dreg:$0x0];
	s2 =	stileid.u32  }
0x153: {  	s1 =	rddreg [dreg:$0x1];
	p0 =	sne.s32 s2, $0x0  }
0x154: {  	s3 =	rddreg [dreg:$0x2];
	[bflag:$0x3] =	sbarrier.arrive $0xFFFF;
	s2 =	simm.s32 @!p0 $0x1C03  }
0x155: {  	[timem:s3], [sflag:s2] =	dma.local @!p0 [hbm:s0], s1  }
0x156: {  	s0 =	simm.s32 @!p0 $0x3  }
0x157: {  	_ =	swait.ge @!p0 [sflag:s0], s1  }
0x158: {  	s1 =	ssub.s32 @!p0 $0x0, s1;
	[sflag:s0] =	ssyncset.done @!p0 $0x0  }
0x159: {  	[sflag:s0] =	ssyncadd.s32 @!p0 s1  }
0x15a: {  	[bflag:$0x3] =	sbarrier.arrive $0xFFFF  }
0x15b: {  	_ =	shalt  }

// kernel: sparse-core-data-format-call.cloned.1.call-start
scs
called_computation_lowered:
.L_overlay_start_0:
0x0: {  	s2 =	sld [smem:$0x3FD9]  }
0x1: {  	s3 =	sld [smem:$0x3FFE];
	_ =	sdelay $0x1  }
0x2: {  	s1 =	srdreg.scid  }
0x3: {  	s0 =	sand.u32 $0x1, s1  }
0x4: {  	s18 =	sshll.u32 s0, $0xA;
	s2 =	sadd.s32 s3, s2  }
0x5: {  	s2 =	sadd.s32 s2, s18  }
0x6: {  	[smem:$0x3FC4] =	sst s2  }
0x7: {  	_ = 	snop  }
0x8: {  	s2 =	sld [smem:$0x3FD0];
	(tm) =	ssettm $0x1  }
0x9: {  	s19 =	sld [smem:$0x3FFB];
	_ =	sdelay $0x3  }
0xa: {  	_ =	strace s19  }
0xb: {  	s3 =	sld [smem:$0x3FFC];
	_ =	sdelay $0x3  }
0xc: {  	_ =	strace s3  }
0xd: {  	s3 =	sld [smem:$0x3FFD];
	_ =	sdelay $0x3  }
0xe: {  	_ =	strace s3  }
0xf: {  	_ =	strace $0x8FFFFFFF  }
0x10: {  	s20 =	sld [smem:$0x3FDB];
	_ =	sdelay $0x1  }
0x11: {  	s4 =	simm.s32 $_scs_section_size  }
0x12: {  	s5 =	simm.s32 $_size__tile_overlayer_lowered;
	s6 =	simm.s32 $_tile_overlayer_lowered  }
0x13: {  	s23 =	simm.s32 $0x1BFF;
	s22 =	sshll.u32 s6, $0x1;
	s3 =	sadd.s32 s4, s20  }
0x14: {  	s7 =	simm.s32 $0x0;
	s21 =	sshll.u32 s5, $0x1;
	s5 =	sadd.s32 s22, s3  }
0x15: {  	[timem:s7], [sflag:s23] =	dma.local [hbm:s5], s21  }
0x16: {  	_ =	swait.ge [sflag:s23], s21  }
0x17: {  	s4 =	ssub.s32 $0x0, s21;
	[sflag:s23] =	ssyncset.done $0x0  }
0x18: {  	[sflag:s23] =	ssyncadd.s32 s4;
	_ =	sdelay $0x1  }
0x19: {  	s24 =	simm.s32 $0x1B8B  }
0x1a: {  	_ =	swait.ge [sflag:s24], $0x1  }
0x1b: {  	[sflag:s24] =	ssyncset.done $0x0  }
0x1c: {  	s26 =	simm.s32 $0x1B8E;
	s25 =	sld [smem:$0x3FFE];
	[sflag:s24] =	ssyncadd.s32 $0xFFFFFFFF  }
0x1d: {  	s27 =	simm.s32 $execute0_lowered;
	[smem:$0x3FD2] =	sst s26  }
0x1e: {  	s5 =	sshll.u32 s27, $0x1;
	_ =	strace $0x80000049;
	[dreg:$0x1] =	wrdreg $0xFFFFFFFF  }
0x1f: {  	s28 =	simm.s32 $_size_execute0_lowered;
	s3 =	sadd.s32 s3, s5;
	[dreg:$0x0] =	wrdreg $0x0  }
0x20: {  	s5 =	sshll.u32 s28, $0x1;
	[dreg:$0x2] =	wrdreg s3  }
0x21: {  	[dreg:$0x3] =	wrdreg s5  }
0x22: {  	[dreg:$0x4] =	wrdreg $0xC0  }
0x23: {  	_ =	task [dreg:s7], $0x5FFFF  }
0x24: {  	[dreg:$0x1] =	wrdreg $0xFFFFFFFF  }
0x25: {  	[dreg:$0x0] =	wrdreg $0x60  }
0x26: {  	[dreg:$0x2] =	wrdreg s25  }
0x27: {  	[dreg:$0x3] =	wrdreg s2  }
0x28: {  	[dreg:$0x4] =	wrdreg $0x9  }
0x29: {  	_ =	task.clear_ibuf [dreg:s7], $0x5FFFF;
	_ =	strace $0x90000049  }
0x2a: {  	s29 =	simm.s32 $0x9;
	_ =	strace $0x8000004B  }
0x2b: {  	_ =	swait.ge [sflag:s29], $0x1  }
0x2c: {  	[sflag:s29] =	ssyncadd.s32 $0xFFFFFFFF  }
0x2d: {  	_ =	strace $0x9000004B  }
0x2e: {  	_ =	sfence  }
0x2f: {  	s30 =	sld [smem:$0x0];
	_ =	sdelay $0x2  }
0x30: {  	s31 =	sshll.u32 s1, $0xD;
	s1 =	sshrl.u32 s1, $0x2  }
0x31: {  	s3 =	sand.u32 $0x4000, s31;
	s1 =	sadd.s32 s1, s30  }
0x32: {  	s0 =	sor.u32 s3, s0;
	s1 =	sshll.u32 s1, $0x11  }
0x33: {  	s0 =	sor.u32 s1, s0  }
0x34: {  	s0 =	sadd.s32 $0x8F2B, s0  }
0x35: {  	[sflag:s0] =	ssyncadd.remote.s32 $0x1  }
0x36: {  	_ =	sfence.sel $0xFFFF  }
0x37: {  	[dreg:$0x0] =	wrdreg $0xFFFFFFFF;
	(pc) =	sbr.abs _section_cstart, $3  }
0x38: {  	[dreg:$0x1] =	wrdreg $0xFFFFFFFF  }
0x39: {  	_ =	task.clear_ibuf [dreg:s7], $0x2FFFF;
	_ =	strace $0x9FFFFFFF  }
0x3a: {  	(tm) =	ssettm $0x7FFFFFFF  }
0x3b: {  	_ =	shalt  }
tec
execute0_lowered:
.L_overlay_start_1:
0x0: {  	(tag) =	ssettag $0x1  }
0x1: {  	s4 =	rddreg [dreg:$0x0]  }
0x2: {  	s0 =	stileid.u32;
	s2 =	rddreg [dreg:$0x1]  }
0x3: {  	s7 =	srdreg.scid;
	s31 =	simm.s32 $0x2;
	s17 =	simm.s32 $0x0  }
0x4: {  	s9 =	simm.s32 $0x2000;
	s19 =	simm.s32 $0x0;
	s18 =	simm.s32 $0x0  }
0x5: {  	s10 =	simm.s32 $0x0;
	s11 =	simm.s32 $0x0;
	s1 =	sshll.u32 s0, $0x7  }
0x6: {  	s12 =	simm.s32 $0x0;
	s14 =	simm.s32 $0x0;
	s3 =	sand.u32 $0x380, s1  }
0x7: {  	s16 =	simm.s32 $0x0;
	s4 =	sadd.s32 $0x22600, s4;
	s5 =	ssub.s32 $0x400, s3  }
0x8: {  	s8 =	sshll.u32 s0, $0x4;
	s7 =	sshll.u32 s7, $0x8;
	s6 =	sand.u32 $0x380, s5  }
0x9: {  	s1 =	rddreg [dreg:$0x2];
	p0 =	sne.s32 s6, $0x0;
	s6 =	simm.s32 $0x1  }
.Ltmp0:
0xa: {  	s5 =	sshrl.u32 s5, $0xA;
	s6 =	simm.s32 @!p0 $0x0;
	(pc) =	sbr.rel .LBB1_1-.Ltmp0, $4  }
0xb: {  	_ =	strace $0x8000004A;
	s7 =	sor.u32 s8, s7;
	s6 =	sadd.s32 s6, s5  }
0xc: {  	s7 =	sand.u32 $0x180, s7;
	s5 =	simm.s32 $0x1;
	s6 =	smul.u32 $0x64, s6  }
0xd: {  	s15 =	smov.u32 s3;
	s13 =	smov.u32 s7;
	[sflag:s5] =	ssyncpa.u1 $0x0  }
0xe: {  	p0 =	por $0x0, $0x0;
	[sflag:s31] =	ssyncpa.u1 $0x0;
	s8 =	sor.u32 $0x1, s6  }
.LBB1_4:
0xf: {  	s25 =	sshll.u32 s10, $0xA;
	s24 =	sshra.s32 s24, $0x2;
	s26 =	sshll.u32 s12, $0x3  }
0x10: {  	p1 =	sgt.s32 s11, $0x31;
	s27 =	smov.u32 s11;
	s28 =	sshra.s32 s11, $0x1F  }
0x11: {  	p2 =	sgt.s32 s12, $0x380;
	s31 =	sshra.s32 s12, $0x1F;
	s25 =	sand.u32 $0xFFFFE000, s25  }
0x12: {  	s26 =	sand.u32 $0xFFFFFC00, s26;
	s27 =	simm.s32 @!p1 $0x31;
	s28 =	sand.u32 s28, s11  }
0x13: {  	[tilespmem:s22+$0x2040 ss:$0x81] =	vst.msk $0xffff, v4;
	s23 =	sadd.s32 s24, s23;
	s29 =	sadd.s32 s26, s25;
	s25 =	ssub.s32 s27, s28  }
0x14: {  	[tilespmem:s22+$0x2850 ss:$0x81] =	vst.msk $0xffff, v3;
	s27 =	smov.u32 s12;
	s28 =	smov.u32 s10;
	s26 =	sand.u32 s31, s12  }
0x15: {  	[tilespmem:s22+$0x3060 ss:$0x81] =	vst.msk $0xffff, v2;
	s24 =	sshrl.u32 s29, $0xA;
	s30 =	sadd.s32 $0xFFFFFFCF, s25;
	s27 =	simm.s32 @!p2 $0x380  }
0x16: {  	v5 =	vld [tilespmem:s21+$0xFFFFFFD0];
	[tilespmem:s22+$0x0 ss:$0x81] =	vst.msk $0xffff, v1;
	p2 =	sgt.s32 s10, $0x368;
	s29 =	sshra.s32 s10, $0x1F;
	s22 =	ssub.s32 $0x32, s25  }
0x17: {  	v58 =	vld [tilespmem:s21+$0xFFFFFFE0];
	p1 =	sgt.s32 s30, $0x0;
	s28 =	simm.s32 @!p2 $0x368;
	s29 =	sand.u32 s29, s10  }
0x18: {  	v59 =	vld [tilespmem:s21+$0xFFFFFFF0];
	s26 =	ssub.s32 s27, s26;
	s27 =	smulhi.u32 $0x418938, s24;
	s28 =	ssub.s32 s28, s29  }
0x19: {  	v60 =	vld [tilespmem:s21+$0x0];
	s30 =	sadd.s32 $0xFFFFFC80, s26;
	s25 =	ssub.s32 $0x400, s26;
	s22 =	simm.s32 @p1 $0x0  }
0x1a: {  	v61 =	vld [tilespmem:s21+$0x10];
	[tilespmem:s23+$0x3870 ss:$0x81] =	vst.msk $0xffff, v0;
	s29 =	sand.u32 $0x78, s12;
	p2 =	sgt.s32 s30, $0x7F;
	s31 =	sadd.s32 $0xFFFFFC98, s28  }
0x1b: {  	v62 =	vld [tilespmem:s21+$0x20];
	[tilespmem:s23+$0x810 ss:$0x81] =	vst.msk $0xffff, v5;
	s27 =	smul.u32 $0x3E8, s27;
	s30 =	sshll.u32 s10, $0x7;
	s28 =	ssub.s32 $0x3E8, s28  }
0x1c: {  	v63 =	vld [tilespmem:s21+$0xFFFFFFC0];
	[tilespmem:s23+$0x1020 ss:$0x81] =	vst.msk $0xffff, v58;
	s25 =	simm.s32 @p2 $0x0;
	p1 =	sgt.s32 s31, $0x7F;
	s31 =	smul.u32 $0x1F400, s11  }
0x1d: {  	[tilespmem:s23+$0x1830 ss:$0x81] =	vst.msk $0xffff, v59;
	s21 =	sand.u32 $0x380, s30;
	s22 =	smul.u32 s25, s22;
	s28 =	simm.s32 @p1 $0x0  }
0x1e: {  	[tilespmem:s23+$0x2040 ss:$0x81] =	vst.msk $0xffff, v60;
	s21 =	sor.u32 s29, s21;
	s24 =	ssub.s32 s24, s27;
	s29 =	sand.u32 $0x7, s12  }
0x1f: {  	[tilespmem:s23+$0x2850 ss:$0x81] =	vst.msk $0xffff, v61;
	s21 =	sshrl.u32 s21, $0x3;
	s25 =	sadd.s32 s2, s31;
	s22 =	smul.u32 s28, s22  }
0x20: {  	[tilespmem:s23+$0x3060 ss:$0x81] =	vst.msk $0xffff, v62;
	s24 =	sshll.u32 s24, $0x7;
	s30 =	sshll.u32 s29, $0x12;
	s21 =	sadd.s32 s21, s25  }
0x21: {  	[tilespmem:s23+$0x0 ss:$0x81] =	vst.msk $0xffff, v63;
	s31 =	sor.u32 $0x400, s30;
	s21 =	sadd.s32 s24, s21;
	s22 =	sand.u32 $0x3FFFFFFF, s22  }
0x22: {  	[hbm4b:s21+s31] =	stream.strided.scatter [tilespmem:s20], [sflag:$0x2], s22, s9, s31, $0x20;
	[tilespmem:$0x10100] =	vst v63  }
.LBB1_5:
0x23: {  	p1 =	slt.u32 s16, $0x2  }
0x24: {  	p2 =	sgt.s32 @!p1 s19, $0x31  }
0x25: {  	s20 =	smov.u32 s19;
	s21 =	sshra.s32 @!p1 s19, $0x1F;
	p2 =	por !p2, p1  }
0x26: {  	s19 =	sand.u32 @!p1 s21, s19;
	s20 =	simm.s32 @p2 $0x31  }
0x27: {  	p3 =	sgt.s32 @!p1 s17, $0x368;
	s19 =	ssub.s32 @!p1 s20, s19  }
0x28: {  	p4 =	sgt.s32 @!p1 s18, $0x380;
	s22 =	sshra.s32 @!p1 s18, $0x1F;
	s20 =	sadd.s32 @!p1 $0xFFFFFFCF, s19  }
0x29: {  	s21 =	smov.u32 s17;
	p2 =	sgt.s32 @!p1 s20, $0x0;
	s20 =	sshra.s32 @!p1 s17, $0x1F  }
0x2a: {  	p4 =	por !p4, p1;
	s17 =	sand.u32 @!p1 s20, s17;
	s20 =	smov.u32 s18  }
0x2b: {  	p3 =	por !p3, p1;
	s18 =	sand.u32 @!p1 s22, s18;
	s20 =	simm.s32 @p4 $0x380  }
0x2c: {  	s21 =	simm.s32 @p3 $0x368;
	s19 =	ssub.s32 @!p1 $0x32, s19;
	s18 =	ssub.s32 @!p1 s20, s18  }
0x2d: {  	p2 =	por !p2, p1;
	s17 =	ssub.s32 @!p1 s21, s17;
	s21 =	sadd.s32 @!p1 $0xFFFFFC80, s18  }
0x2e: {  	s19 =	simm.s32 @!p2 $0x0;
	p3 =	sgt.s32 @!p1 s21, $0x7F  }
0x2f: {  	s20 =	sadd.s32 @!p1 $0xFFFFFC98, s17;
	s18 =	ssub.s32 @!p1 $0x400, s18;
	p3 =	por !p3, p1  }
0x30: {  	p2 =	sgt.s32 @!p1 s20, $0x7F;
	s20 =	sadd.s32 $0x200, s13;
	s18 =	simm.s32 @!p3 $0x0  }
0x31: {  	p3 =	sgt.s32 s20, $0x3E7;
	s18 =	smul.u32 @!p1 s18, s19;
	s19 =	simm.s32 $0x1  }
0x32: {  	s17 =	ssub.s32 @!p1 $0x3E8, s17;
	p2 =	por !p2, p1;
	s19 =	simm.s32 @!p3 $0x0  }
0x33: {  	s22 =	smov.u32 s15;
	s17 =	simm.s32 @!p2 $0x0;
	s21 =	sadd.s32 s19, s14  }
0x34: {  	s17 =	smul.u32 @!p1 s17, s18;
	s18 =	sadd.s32 $0x400, s15;
	p2 =	sgt.s32 s21, $0x31  }
0x35: {  	p0 =	por !p0, !p0;
	s23 =	simm.s32 @!p1 $0x2;
	s22 =	smov.u32 @p2 s18  }
0x36: {  	s20 =	smov.u32 @p3 s7;
	s21 =	simm.s32 @p2 $0x0;
	p2 =	sgt.s32 s22, $0x3FF  }
0x37: {  	s19 =	smov.u32 s11;
	s22 =	smov.u32 @p2 s3;
	p2 =	sne.s32 s16, s8  }
.Ltmp1:
0x38: {  	s11 =	smov.u32 s14;
	s17 =	sand.u32 @!p1 $0x3FFFFFFF, s17;
	(pc) =	sbr.rel @!p2 .LBB1_6-.Ltmp1, $4  }
0x39: {  	s18 =	smov.u32 s12;
	s12 =	smov.u32 s15;
	_ =	swait.ge @!p1 [sflag:s23], s17  }
0x3a: {  	s24 =	ssub.s32 @!p1 $0x0, s17;
	s17 =	smov.u32 s10;
	s10 =	smov.u32 s13  }
0x3b: {  	s13 =	smov.u32 s20;
	s14 =	smov.u32 s21;
	[sflag:s23] =	ssyncset.done @!p1 $0x0  }
0x3c: {  	s16 =	sadd.s32 $0x1, s16;
	[sflag:s23] =	ssyncadd.s32 @!p1 s24;
	s15 =	smov.u32 s22  }
.LBB1_1:
0x3d: {  	p1 =	sge.u32 s16, s6  }
0x3e: {  	s20 =	sshll.u32 @!p1 s14, $0xA  }
0x3f: {  	s21 =	sshll.u32 @!p1 s13, $0x3;
	s20 =	sand.u32 @!p1 $0xFFFFE000, s20  }
0x40: {  	s20 =	sadd.s32 @!p1 s20, s21  }
0x41: {  	s20 =	sshrl.u32 @!p1 s20, $0xA  }
0x42: {  	s21 =	smulhi.u32 @!p1 $0x4924925, s20  }
0x43: {  	s22 =	sshll.u32 @!p1 s14, $0x7;
	s24 =	smul.u32 @!p1 $0x1C00, s15  }
0x44: {  	s23 =	sand.u32 @!p1 $0x78, s13;
	s22 =	sand.u32 @!p1 $0x380, s22;
	s21 =	smul.u32 @!p1 $0x38, s21  }
0x45: {  	s31 =	sadd.s32 $0xFFFFFFFF, s16;
	s22 =	sor.u32 @!p1 s23, s22;
	s23 =	sadd.s32 @!p1 s4, s24  }
0x46: {  	s22 =	sshrl.u32 @!p1 s22, $0x3;
	s20 =	ssub.s32 @!p1 s20, s21;
	s21 =	sxor.u32 @!p1 $0xFFFFFFFF, s16  }
0x47: {  	s22 =	sadd.s32 @!p1 s22, s23;
	s23 =	sand.u32 @!p1 $0x7, s13;
	s21 =	sshll.u32 @!p1 s21, $0xE  }
0x48: {  	s23 =	sshll.u32 @!p1 s23, $0x12;
	s20 =	sshll.u32 @!p1 s20, $0x7;
	s21 =	sand.u32 @!p1 $0x4000, s21  }
0x49: {  	s20 =	sadd.s32 @!p1 s20, s22;
	s22 =	sor.u32 @!p1 $0x80, s23;
	s23 =	simm.s32 @!p1 $0xE000  }
0x4a: {  	[tilespmem:s21], [sflag:$0x1] =	stream.strided.gather @!p1 [hbm4b:s20+s22], $0x4000, s23, s22, $0x38;
	[tilespmem:$0x10100] =	vst v63  }
0x4b: {  	p1 =	sge.u32 s31, s6  }
.Ltmp2:
0x4c: {  	_ = 	snop;
	(pc) =	sbr.rel @p1 .LBB1_5-.Ltmp2, $1  }
0x4d: {  	_ =	sdelay $0x3  }
0x4e: {  	s20 =	simm.s32 $0x1  }
0x4f: {  	_ =	swait.ge [sflag:s5], $0x4000;
	s20 =	simm.s32 @!p0 $0x0  }
0x50: {  	[sflag:s5] =	ssyncset.done $0x0;
	s21 =	sshll.u32 s20, $0xE  }
0x51: {  	[sflag:s5] =	ssyncadd.s32 $0xFFFFC000;
	s21 =	sor.u32 $0x40, s21  }
0x52: {  	s20 =	smul.u32 $0x10200, s20;
	v0 =	vld [tilespmem:s21+$0x30]  }
0x53: {  	v1 =	vld [tilespmem:s21+$0xFFFFFFD0]  }
0x54: {  	s20 =	sshrl.u32 s20, $0x2;
	v5 =	vld [tilespmem:s21+$0xFFFFFFE0]  }
0x55: {  	v6 =	vld [tilespmem:s21+$0xFFFFFFF0];
	s23 =	sor.u32 $0x8000, s20  }
0x56: {  	s31 =	sand.u32 $0x1, s16;
	v4 =	vld [tilespmem:s21+$0x0];
	s22 =	sadd.s32 $0x0, s23  }
0x57: {  	v3 =	vld [tilespmem:s21+$0x10];
	s20 =	smul.u32 $0x10200, s31;
	[tilespmem:s22+$0x3870 ss:$0x81] =	vst.msk $0xffff, v0  }
0x58: {  	v2 =	vld [tilespmem:s21+$0x20];
	[tilespmem:s22+$0x810 ss:$0x81] =	vst.msk $0xffff, v1  }
0x59: {  	s20 =	sshrl.u32 s20, $0x2;
	v1 =	vld [tilespmem:s21+$0xFFFFFFC0];
	[tilespmem:s22+$0x1020 ss:$0x81] =	vst.msk $0xffff, v5;
	s21 =	sadd.s32 $0x80, s21  }
0x5a: {  	s24 =	simm.s32 $0x4;
	s25 =	simm.s32 $0x8;
	s20 =	sor.u32 $0x8000, s20;
	[tilespmem:s22+$0x1830 ss:$0x81] =	vst.msk $0xffff, v6;
	v0 =	vld [tilespmem:s21+$0x30]  }
.LBB1_3:
0x5b: {  	p1 =	sne.s32 s25, $0x1FC;
	v5 =	vld [tilespmem:s21+$0xFFFFFFD0];
	[tilespmem:s22+$0x2040 ss:$0x81] =	vst.msk $0xffff, v4  }
0x5c: {  	v6 =	vld [tilespmem:s21+$0xFFFFFFE0];
	[tilespmem:s22+$0x2850 ss:$0x81] =	vst.msk $0xffff, v3  }
0x5d: {  	s26 =	sshra.s32 s24, $0x2;
	s24 =	smov.u32 s25;
	v7 =	vld [tilespmem:s21+$0xFFFFFFF0];
	[tilespmem:s22+$0x3060 ss:$0x81] =	vst.msk $0xffff, v2  }
.Ltmp3:
0x5e: {  	v4 =	vld [tilespmem:s21+$0x0];
	[tilespmem:s22+$0x0 ss:$0x81] =	vst.msk $0xffff, v1;
	s22 =	sadd.s32 s26, s23;
	(pc) =	sbr.rel @p1 .LBB1_3-.Ltmp3, $4  }
0x5f: {  	v3 =	vld [tilespmem:s21+$0x10];
	[tilespmem:s22+$0x3870 ss:$0x81] =	vst.msk $0xffff, v0  }
0x60: {  	[tilespmem:s22+$0x810 ss:$0x81] =	vst.msk $0xffff, v5;
	v2 =	vld [tilespmem:s21+$0x20]  }
0x61: {  	v1 =	vld [tilespmem:s21+$0xFFFFFFC0];
	[tilespmem:s22+$0x1020 ss:$0x81] =	vst.msk $0xffff, v6;
	s21 =	sadd.s32 $0x80, s21  }
0x62: {  	s25 =	sadd.s32 $0x4, s25;
	v0 =	vld [tilespmem:s21+$0x30];
	[tilespmem:s22+$0x1830 ss:$0x81] =	vst.msk $0xffff, v7  }
.Ltmp4:
0x63: {  	_ = 	snop;
	(pc) =	sbr.rel .LBB1_4-.Ltmp4, $1  }
0x64: {  	_ =	sdelay $0x3  }
.LBB1_6:
0x65: {  	_ =	sfence.sel $0x180000  }
0x66: {  	s2 =	simm.s32 $0x1;
	[bflag:$0x0] =	sbarrier.arrive $0xFFFF  }
0x67: {  	s31 =	simm.s32 $0x2;
	[sflag:s2] =	ssyncpa.u1 $0x1  }
0x68: {  	[sflag:s31] =	ssyncpa.u1 $0x1  }
0x69: {  	p0 =	sne.s32 s0, $0x0;
	_ =	strace $0x9000004A  }
0x6a: {  	s0 =	sadd.s32 @!p0 $0x100000, s1;
	[bflag:$0x2] =	sbarrier.arrive $0xFFFF  }
0x6b: {  	[sflag:s0] =	ssyncadd.tile.s32 @!p0 $0x1;
	_ =	shalt  }
.Lfunc_end1:
_tile_overlayer_lowered:
.L_overlay_start_2:
0x6c: {  	(tag) =	ssettag $0x2  }
0x6d: {  	s0 =	rddreg [dreg:$0x0];
	s2 =	stileid.u32  }
0x6e: {  	s1 =	rddreg [dreg:$0x1];
	p0 =	sne.s32 s2, $0x0  }
0x6f: {  	s3 =	rddreg [dreg:$0x2];
	[bflag:$0x3] =	sbarrier.arrive $0xFFFF;
	s2 =	simm.s32 @!p0 $0x1C01  }
0x70: {  	[timem:s3], [sflag:s2] =	dma.local @!p0 [hbm:s0], s1  }
0x71: {  	s0 =	simm.s32 @!p0 $0x1  }
0x72: {  	_ =	swait.ge @!p0 [sflag:s0], s1  }
0x73: {  	s1 =	ssub.s32 @!p0 $0x0, s1;
	[sflag:s0] =	ssyncset.done @!p0 $0x0  }
0x74: {  	[sflag:s0] =	ssyncadd.s32 @!p0 s1  }
0x75: {  	[bflag:$0x3] =	sbarrier.arrive $0xFFFF  }
0x76: {  	_ =	shalt  }

</sc_bundles>
